<compile_context>
chip_gen: v7x
topology: tpu7x:2x2x1
jax: 0.10.2.dev20260603
libtpu: 0.0.44.dev20260713+nightly
codegen_flags: <defaults>
</compile_context>

<pallas_src>
import functools

import jax
import jax.numpy as jnp
from jax import lax
from jax.experimental import pallas as pl
from jax.experimental.pallas import tpu as pltpu
from jax.experimental.pallas import tpu_sc as plsc

N = 10000
E = 160000
D = 128
R = 8

NC = 2
NS = 16
NW = NC * NS

CH = 128
NCH = 40
EPW = CH * NCH
EP = EPW * NW

NPAD = 10240
ROWS_PER_TILE = NPAD // NS
L = 16



def _uvw_body(a_ref, s_ref, o_ref):
    o_ref[...] = jnp.dot(a_ref[...], s_ref[...],
                         preferred_element_type=jnp.float32)


def _y_body(x_ref, w_ref, o_ref):
    o_ref[...] = jnp.dot(x_ref[...], w_ref[0],
                         preferred_element_type=jnp.float32)


def _s16_body(x_ref, u_ref, w_ref, su_ref, sw_ref):
    su_ref[...] = jnp.dot(x_ref[...], u_ref[...],
                          preferred_element_type=jnp.float32)
    sw_ref[...] = jnp.dot(x_ref[...], w_ref[...],
                          preferred_element_type=jnp.float32)


def _t16_body(ea_ref, v_ref, o_ref):
    o_ref[...] = jnp.dot(ea_ref[...], v_ref[...],
                         preferred_element_type=jnp.float32)


def _gidx_body(r_ref, s_ref, o_ref):
    o_ref[...] = r_ref[...] * N + s_ref[...]


def _add_body(p0_ref, p1_ref, o_ref):
    o_ref[...] = p0_ref[...] + p1_ref[...]



_mesh = plsc.VectorSubcoreMesh(core_axis_name="c", subcore_axis_name="s",
                               num_cores=NC, num_subcores=NS)


@functools.partial(
    pl.kernel,
    out_type=jax.ShapeDtypeStruct((NC * NPAD, D), jnp.float32),
    mesh=_mesh,
    compiler_params=pltpu.CompilerParams(use_tc_tiling_on_sc=False),
    scratch_types=[
        pltpu.VMEM((NCH, CH), jnp.int32),
        pltpu.VMEM((NCH, CH), jnp.int32),
        pltpu.VMEM((NCH, CH), jnp.int32),
        pltpu.VMEM((CH, L), jnp.float32),
        pltpu.VMEM((CH, D), jnp.float32),
        pltpu.VMEM((CH, L), jnp.float32),
        pltpu.VMEM((CH, L), jnp.float32),
        pltpu.VMEM_SHARED((NPAD, D), jnp.float32),
        pltpu.SemaphoreType.DMA,
        pltpu.SemaphoreType.DMA,
        pltpu.SemaphoreType.DMA,
    ],
)
def _sc_aggregate(y_hbm, su_hbm, sw_hbm, t_hbm, gidx_hbm, src_hbm, dst_hbm,
                  z_hbm, out_hbm,
                  gidx_v, src_v, dst_v, t_r, rows_v, su_r, sw_r, acc,
                  sem0, sem1, sem2):
    cid = lax.axis_index("c")
    sid = lax.axis_index("s")
    wid = sid * NC + cid

    pltpu.sync_copy(z_hbm, acc.at[pl.ds(sid * ROWS_PER_TILE, ROWS_PER_TILE)])

    pltpu.sync_copy(gidx_hbm.at[wid], gidx_v)
    pltpu.sync_copy(src_hbm.at[wid], src_v)
    pltpu.sync_copy(dst_hbm.at[wid], dst_v)
    plsc.subcore_barrier()

    def _chunk(c, carry):
        g0 = pltpu.async_copy(y_hbm.at[gidx_v.at[c]], rows_v, sem0)
        g1 = pltpu.async_copy(su_hbm.at[src_v.at[c]], su_r, sem1)
        g2 = pltpu.async_copy(sw_hbm.at[dst_v.at[c]], sw_r, sem2)
        pltpu.sync_copy(t_hbm.at[wid, c], t_r)
        g0.wait()
        g1.wait()
        g2.wait()

        def _edge(j, carry2):
            e16 = su_r[j, :] + sw_r[j, :] + t_r[j, :]
            for k in range(D // L):
                ks = pl.ds(k * L, L)
                rows_v[j, ks] = rows_v[j, ks] * e16
            return carry2

        lax.fori_loop(0, CH, _edge, 0)

        pltpu.sync_copy(rows_v, acc.at[dst_v.at[c]], add=True)
        return carry

    lax.fori_loop(0, NCH, _chunk, 0)
    plsc.subcore_barrier()

    row = sid * ROWS_PER_TILE
    pltpu.sync_copy(acc.at[pl.ds(row, ROWS_PER_TILE)],
                    out_hbm.at[pl.ds(cid * NPAD + row, ROWS_PER_TILE)])



def kernel(x, edge_index, edge_attr, rel_type, weight, shared_W, attn_W):
    f32 = jnp.float32
    src = edge_index[0]
    dst = edge_index[1]

    pad_e = EP - E
    src_p = jnp.concatenate([src, jnp.full((pad_e,), N, jnp.int32)])
    dst_p = jnp.concatenate([dst, jnp.full((pad_e,), N, jnp.int32)])
    rel_p = jnp.concatenate([rel_type, jnp.zeros((pad_e,), jnp.int32)])
    ea_p = jnp.concatenate([edge_attr, jnp.zeros((pad_e, D), f32)], axis=0)
    x_p = jnp.concatenate([x, jnp.zeros((NPAD - N, D), f32)], axis=0)

    attn_r = attn_W.reshape(3, D)

    uvw = pl.pallas_call(
        _uvw_body,
        out_shape=jax.ShapeDtypeStruct((3, D), f32),
    )(attn_r, shared_W)

    y = pl.pallas_call(
        _y_body,
        grid=(R,),
        in_specs=[pl.BlockSpec((N, D), lambda r: (0, 0)),
                  pl.BlockSpec((1, D, D), lambda r: (r, 0, 0))],
        out_specs=pl.BlockSpec((N, D), lambda r: (r, 0)),
        out_shape=jax.ShapeDtypeStruct((R * N, D), f32),
    )(x, weight)

    u16 = jnp.broadcast_to(uvw[0][:, None], (D, L))
    w16 = jnp.broadcast_to(uvw[2][:, None], (D, L))

    nb = NPAD // 1024
    su16, sw16 = pl.pallas_call(
        _s16_body,
        grid=(nb,),
        in_specs=[pl.BlockSpec((1024, D), lambda i: (i, 0)),
                  pl.BlockSpec((D, L), lambda i: (0, 0)),
                  pl.BlockSpec((D, L), lambda i: (0, 0))],
        out_specs=[pl.BlockSpec((1024, L), lambda i: (i, 0)),
                   pl.BlockSpec((1024, L), lambda i: (i, 0))],
        out_shape=[jax.ShapeDtypeStruct((NPAD, L), f32),
                   jax.ShapeDtypeStruct((NPAD, L), f32)],
    )(x_p, u16, w16)

    v16 = jnp.broadcast_to(uvw[1][:, None], (D, L))
    tb = EP // 10
    t16 = pl.pallas_call(
        _t16_body,
        grid=(10,),
        in_specs=[pl.BlockSpec((tb, D), lambda i: (i, 0)),
                  pl.BlockSpec((D, L), lambda i: (0, 0))],
        out_specs=pl.BlockSpec((tb, L), lambda i: (i, 0)),
        out_shape=jax.ShapeDtypeStruct((EP, L), f32),
    )(ea_p, v16)

    gidx_m = pl.pallas_call(
        _gidx_body,
        out_shape=jax.ShapeDtypeStruct((EP // D, D), jnp.int32),
    )(rel_p.reshape(EP // D, D), src_p.reshape(EP // D, D))

    t4 = t16.reshape(NW, NCH, CH, L)
    gidx3 = gidx_m.reshape(NW, NCH, CH)
    src3 = src_p.reshape(NW, NCH, CH)
    dst3 = dst_p.reshape(NW, NCH, CH)

    zeros_blk = jnp.zeros((ROWS_PER_TILE, D), f32)

    partials = _sc_aggregate(y, su16, sw16, t4, gidx3, src3, dst3,
                             zeros_blk)

    out = pl.pallas_call(
        _add_body,
        grid=(10,),
        in_specs=[pl.BlockSpec((1024, D), lambda i: (i, 0)),
                  pl.BlockSpec((1024, D), lambda i: (i + NPAD // 1024, 0))],
        out_specs=pl.BlockSpec((1024, D), lambda i: (i, 0)),
        out_shape=jax.ShapeDtypeStruct((N, D), f32),
    )(partials, partials)
    return out

# --- scband reference (transcript-rebuilt; emitter-appended) ---
"""Pipeline reference for scband-rel-att-layer-12146167513336 (READ-ONLY COPY).

The authoritative reference and input builder live on the scoring server;
editing this copy changes nothing except your own understanding.
"""

import jax, jax.numpy as jnp
import numpy as np

N = 10000
E = 160000
IN_DIM = 128
OUT_DIM = 128
NUM_RELS = 8


def setup_inputs(seed: int = 0) -> dict:
    key = jax.random.key(seed)
    ks = jax.random.split(key, 8)
    x = jax.random.normal(ks[0], (N, IN_DIM), dtype=jnp.float32)
    edge_index = jax.random.randint(ks[1], (2, E), 0, N, dtype=jnp.int32)
    edge_attr = jax.random.normal(ks[2], (E, IN_DIM), dtype=jnp.float32)
    rel_type = jax.random.randint(ks[3], (E,), 0, NUM_RELS, dtype=jnp.int32)
    gain = float(np.sqrt(2.0))
    # relational weight bank: xavier_uniform over (in_dim, out_dim) fan
    lim_w = gain * float(np.sqrt(6.0 / (IN_DIM + OUT_DIM)))
    weight = jax.random.uniform(ks[4], (NUM_RELS, IN_DIM, OUT_DIM), dtype=jnp.float32, minval=-lim_w, maxval=lim_w)
    # shared linear (out_dim, in_dim), xavier_normal
    std_s = gain * float(np.sqrt(2.0 / (IN_DIM + OUT_DIM)))
    shared_W = std_s * jax.random.normal(ks[5], (OUT_DIM, IN_DIM), dtype=jnp.float32)
    # attention fc (1, 3*out_dim), xavier_normal
    std_a = gain * float(np.sqrt(2.0 / (3 * OUT_DIM + 1)))
    attn_W = std_a * jax.random.normal(ks[6], (1, 3 * OUT_DIM), dtype=jnp.float32)
    return {"x": x, "edge_index": edge_index, "edge_attr": edge_attr, "rel_type": rel_type,
            "weight": weight, "shared_W": shared_W, "attn_W": attn_W}


def reference(x, edge_index, edge_attr, rel_type, weight, shared_W, attn_W):
    # RelAttLayer.forward, non-input-layer path, num_bases == num_rels (no w_comp)
    src = edge_index[0]
    dst = edge_index[1]
    # --- edge_attention (apply_edges) ---
    h_src = jnp.take(x, src, axis=0)           # edges.src['h']  [E, in_dim]
    z_src = h_src @ shared_W.T                 # shared_weight(h_src)
    h_dst = jnp.take(x, dst, axis=0)           # edges.dst['h']
    z_dst = h_dst @ shared_W.T
    ze = edge_attr @ shared_W.T                # shared_weight(edge 'h'); overwrites edges.data['h']
    z2 = jnp.concatenate([z_src, ze, z_dst], axis=1)
    e = z2 @ attn_W.T                          # edges.data['e']  [E, 1]
    # --- message_func: msg = bmm(h_src.unsqueeze(1), weight[rel_type]).squeeze() * e ---
    # mathematically identical formulation that avoids materializing weight[rel_type]
    msg = jnp.zeros((h_src.shape[0], OUT_DIM), dtype=x.dtype)
    for r in range(NUM_RELS):
        mask = (rel_type == r)[:, None]
        msg = msg + jnp.where(mask, h_src @ weight[r], 0.0)
    msg = msg * e
    # --- fn.sum(msg -> 'h') scatter-add over destination nodes ---
    out = jax.ops.segment_sum(msg, dst, num_segments=x.shape[0])
    # apply_func: bias=None, activation=None -> identity
    return out

if __name__ == "__main__":
    import jax
    _d = setup_inputs()
    print(jax.jit(kernel)(*tuple(_d.values())))

</pallas_src>

<mosaic_0001>
#map = affine_map<(d0, d1) -> (0, 0)>
#map1 = affine_map<(d0, d1) -> (0, 0, 0, 0)>
#map2 = affine_map<(d0, d1) -> (0, 0, 0)>
module attributes {stable_mosaic.version = 14 : i64} {
  func.func @_sc_aggregate(%arg0: i32, %arg1: i32, %arg2: memref<80000x128xf32, #tpu.memory_space<hbm>>, %arg3: memref<10240x16xf32, #tpu.memory_space<hbm>>, %arg4: memref<10240x16xf32, #tpu.memory_space<hbm>>, %arg5: memref<32x40x128x16xf32, #tpu.memory_space<hbm>>, %arg6: memref<32x40x128xi32, #tpu.memory_space<hbm>>, %arg7: memref<32x40x128xi32, #tpu.memory_space<hbm>>, %arg8: memref<32x40x128xi32, #tpu.memory_space<hbm>>, %arg9: memref<640x128xf32, #tpu.memory_space<hbm>>, %arg10: memref<20480x128xf32, #tpu.memory_space<hbm>>, %arg11: memref<40x128xi32, #tpu.memory_space<vmem>>, %arg12: memref<40x128xi32, #tpu.memory_space<vmem>>, %arg13: memref<40x128xi32, #tpu.memory_space<vmem>>, %arg14: memref<128x16xf32, #tpu.memory_space<vmem>>, %arg15: memref<128x128xf32, #tpu.memory_space<vmem>>, %arg16: memref<128x16xf32, #tpu.memory_space<vmem>>, %arg17: memref<128x16xf32, #tpu.memory_space<vmem>>, %arg18: memref<10240x128xf32, #tpu.memory_space<vmem_shared>>, %arg19: memref<!tpu.dma_semaphore, #tpu.memory_space<semaphore_mem>>, %arg20: memref<!tpu.dma_semaphore, #tpu.memory_space<semaphore_mem>>, %arg21: memref<!tpu.dma_semaphore, #tpu.memory_space<semaphore_mem>>) attributes {dimension_semantics = [#tpu.dimension_semantics<core_parallel>, #tpu.dimension_semantics<subcore_parallel>], iteration_bounds = array<i64: 2, 16>, scalar_prefetch = 0 : i64, scratch_operands = 11 : i64, tpu.core_type = #tpu.core_type<sc_vector_subcore>, window_params = [{transform_indices = #map}, {transform_indices = #map}, {transform_indices = #map}, {transform_indices = #map1}, {transform_indices = #map2}, {transform_indices = #map2}, {transform_indices = #map2}, {transform_indices = #map}, {transform_indices = #map}]} {
    %mul3A = arith.constant 2 : i32
    %mul3A_0 = arith.muli %arg1, %mul3A : i32
    %add3A = arith.addi %mul3A_0, %arg0 : i32
    %mul3A_1 = arith.constant 640 : i32
    %mul3A_2 = arith.muli %arg1, %mul3A_1 : i32
    "tpu.region"() ({
      %run_scoped3A = tpu.sem_alloc : memref<!tpu.dma_semaphore, #tpu.memory_space<semaphore_mem>>
      %dma_start3A = arith.constant 0 : i32
      %dma_start3A_14 = tpu.memref_slice %arg18[%mul3A_2, %dma_start3A] : memref<10240x128xf32, #tpu.memory_space<vmem_shared>> -> memref<640x128xf32, #tpu.memory_space<vmem_shared>>
      tpu.enqueue_dma source(%arg9 : memref<640x128xf32, #tpu.memory_space<hbm>>) target(%dma_start3A_14 : memref<640x128xf32, #tpu.memory_space<vmem_shared>>) target_semaphore(%run_scoped3A : memref<!tpu.dma_semaphore, #tpu.memory_space<semaphore_mem>>)
      %dma_wait3A = arith.constant 0 : i32
      %dma_wait3A_15 = tpu.memref_slice %arg18[%mul3A_2, %dma_wait3A] : memref<10240x128xf32, #tpu.memory_space<vmem_shared>> -> memref<640x128xf32, #tpu.memory_space<vmem_shared>>
      tpu.wait_dma2 semaphore(%run_scoped3A : memref<!tpu.dma_semaphore, #tpu.memory_space<semaphore_mem>>) src(%arg9 : memref<640x128xf32, #tpu.memory_space<hbm>>) dst(%dma_wait3A_15 : memref<640x128xf32, #tpu.memory_space<vmem_shared>>)
      tpu.yield
    }) : () -> ()
    "tpu.region"() ({
      %run_scoped3A = tpu.sem_alloc : memref<!tpu.dma_semaphore, #tpu.memory_space<semaphore_mem>>
      %dma_start3A = arith.constant 0 : i32
      %dma_start3A_14 = arith.constant 0 : i32
      %dma_start3A_15 = tpu.memref_slice %arg6[%add3A, %dma_start3A, %dma_start3A_14] : memref<32x40x128xi32, #tpu.memory_space<hbm>> -> memref<1x40x128xi32, #tpu.memory_space<hbm>>
      %dma_start3A_16 = tpu.memref_squeeze %dma_start3A_15 : memref<1x40x128xi32, #tpu.memory_space<hbm>> -> memref<40x128xi32, #tpu.memory_space<hbm>>
      %dma_start3A_17 = arith.constant 0 : i32
      %dma_start3A_18 = arith.constant 0 : i32
      %dma_start3A_19 = tpu.memref_slice %arg6[%add3A, %dma_start3A_17, %dma_start3A_18] : memref<32x40x128xi32, #tpu.memory_space<hbm>> -> memref<1x40x128xi32, #tpu.memory_space<hbm>>
      %dma_start3A_20 = tpu.memref_squeeze %dma_start3A_19 : memref<1x40x128xi32, #tpu.memory_space<hbm>> -> memref<40x128xi32, #tpu.memory_space<hbm>>
      tpu.enqueue_dma source(%dma_start3A_20 : memref<40x128xi32, #tpu.memory_space<hbm>>) target(%arg11 : memref<40x128xi32, #tpu.memory_space<vmem>>) target_semaphore(%run_scoped3A : memref<!tpu.dma_semaphore, #tpu.memory_space<semaphore_mem>>)
      %dma_wait3A = arith.constant 0 : i32
      %dma_wait3A_21 = arith.constant 0 : i32
      %dma_wait3A_22 = tpu.memref_slice %arg6[%add3A, %dma_wait3A, %dma_wait3A_21] : memref<32x40x128xi32, #tpu.memory_space<hbm>> -> memref<1x40x128xi32, #tpu.memory_space<hbm>>
      %dma_wait3A_23 = tpu.memref_squeeze %dma_wait3A_22 : memref<1x40x128xi32, #tpu.memory_space<hbm>> -> memref<40x128xi32, #tpu.memory_space<hbm>>
      %dma_wait3A_24 = arith.constant 0 : i32
      %dma_wait3A_25 = arith.constant 0 : i32
      %dma_wait3A_26 = tpu.memref_slice %arg6[%add3A, %dma_wait3A_24, %dma_wait3A_25] : memref<32x40x128xi32, #tpu.memory_space<hbm>> -> memref<1x40x128xi32, #tpu.memory_space<hbm>>
      %dma_wait3A_27 = tpu.memref_squeeze %dma_wait3A_26 : memref<1x40x128xi32, #tpu.memory_space<hbm>> -> memref<40x128xi32, #tpu.memory_space<hbm>>
      tpu.wait_dma2 semaphore(%run_scoped3A : memref<!tpu.dma_semaphore, #tpu.memory_space<semaphore_mem>>) src(%dma_wait3A_27 : memref<40x128xi32, #tpu.memory_space<hbm>>) dst(%arg11 : memref<40x128xi32, #tpu.memory_space<vmem>>)
      tpu.yield
    }) : () -> ()
    "tpu.region"() ({
      %run_scoped3A = tpu.sem_alloc : memref<!tpu.dma_semaphore, #tpu.memory_space<semaphore_mem>>
      %dma_start3A = arith.constant 0 : i32
      %dma_start3A_14 = arith.constant 0 : i32
      %dma_start3A_15 = tpu.memref_slice %arg7[%add3A, %dma_start3A, %dma_start3A_14] : memref<32x40x128xi32, #tpu.memory_space<hbm>> -> memref<1x40x128xi32, #tpu.memory_space<hbm>>
      %dma_start3A_16 = tpu.memref_squeeze %dma_start3A_15 : memref<1x40x128xi32, #tpu.memory_space<hbm>> -> memref<40x128xi32, #tpu.memory_space<hbm>>
      %dma_start3A_17 = arith.constant 0 : i32
      %dma_start3A_18 = arith.constant 0 : i32
      %dma_start3A_19 = tpu.memref_slice %arg7[%add3A, %dma_start3A_17, %dma_start3A_18] : memref<32x40x128xi32, #tpu.memory_space<hbm>> -> memref<1x40x128xi32, #tpu.memory_space<hbm>>
      %dma_start3A_20 = tpu.memref_squeeze %dma_start3A_19 : memref<1x40x128xi32, #tpu.memory_space<hbm>> -> memref<40x128xi32, #tpu.memory_space<hbm>>
      tpu.enqueue_dma source(%dma_start3A_20 : memref<40x128xi32, #tpu.memory_space<hbm>>) target(%arg12 : memref<40x128xi32, #tpu.memory_space<vmem>>) target_semaphore(%run_scoped3A : memref<!tpu.dma_semaphore, #tpu.memory_space<semaphore_mem>>)
      %dma_wait3A = arith.constant 0 : i32
      %dma_wait3A_21 = arith.constant 0 : i32
      %dma_wait3A_22 = tpu.memref_slice %arg7[%add3A, %dma_wait3A, %dma_wait3A_21] : memref<32x40x128xi32, #tpu.memory_space<hbm>> -> memref<1x40x128xi32, #tpu.memory_space<hbm>>
      %dma_wait3A_23 = tpu.memref_squeeze %dma_wait3A_22 : memref<1x40x128xi32, #tpu.memory_space<hbm>> -> memref<40x128xi32, #tpu.memory_space<hbm>>
      %dma_wait3A_24 = arith.constant 0 : i32
      %dma_wait3A_25 = arith.constant 0 : i32
      %dma_wait3A_26 = tpu.memref_slice %arg7[%add3A, %dma_wait3A_24, %dma_wait3A_25] : memref<32x40x128xi32, #tpu.memory_space<hbm>> -> memref<1x40x128xi32, #tpu.memory_space<hbm>>
      %dma_wait3A_27 = tpu.memref_squeeze %dma_wait3A_26 : memref<1x40x128xi32, #tpu.memory_space<hbm>> -> memref<40x128xi32, #tpu.memory_space<hbm>>
      tpu.wait_dma2 semaphore(%run_scoped3A : memref<!tpu.dma_semaphore, #tpu.memory_space<semaphore_mem>>) src(%dma_wait3A_27 : memref<40x128xi32, #tpu.memory_space<hbm>>) dst(%arg12 : memref<40x128xi32, #tpu.memory_space<vmem>>)
      tpu.yield
    }) : () -> ()
    "tpu.region"() ({
      %run_scoped3A = tpu.sem_alloc : memref<!tpu.dma_semaphore, #tpu.memory_space<semaphore_mem>>
      %dma_start3A = arith.constant 0 : i32
      %dma_start3A_14 = arith.constant 0 : i32
      %dma_start3A_15 = tpu.memref_slice %arg8[%add3A, %dma_start3A, %dma_start3A_14] : memref<32x40x128xi32, #tpu.memory_space<hbm>> -> memref<1x40x128xi32, #tpu.memory_space<hbm>>
      %dma_start3A_16 = tpu.memref_squeeze %dma_start3A_15 : memref<1x40x128xi32, #tpu.memory_space<hbm>> -> memref<40x128xi32, #tpu.memory_space<hbm>>
      %dma_start3A_17 = arith.constant 0 : i32
      %dma_start3A_18 = arith.constant 0 : i32
      %dma_start3A_19 = tpu.memref_slice %arg8[%add3A, %dma_start3A_17, %dma_start3A_18] : memref<32x40x128xi32, #tpu.memory_space<hbm>> -> memref<1x40x128xi32, #tpu.memory_space<hbm>>
      %dma_start3A_20 = tpu.memref_squeeze %dma_start3A_19 : memref<1x40x128xi32, #tpu.memory_space<hbm>> -> memref<40x128xi32, #tpu.memory_space<hbm>>
      tpu.enqueue_dma source(%dma_start3A_20 : memref<40x128xi32, #tpu.memory_space<hbm>>) target(%arg13 : memref<40x128xi32, #tpu.memory_space<vmem>>) target_semaphore(%run_scoped3A : memref<!tpu.dma_semaphore, #tpu.memory_space<semaphore_mem>>)
      %dma_wait3A = arith.constant 0 : i32
      %dma_wait3A_21 = arith.constant 0 : i32
      %dma_wait3A_22 = tpu.memref_slice %arg8[%add3A, %dma_wait3A, %dma_wait3A_21] : memref<32x40x128xi32, #tpu.memory_space<hbm>> -> memref<1x40x128xi32, #tpu.memory_space<hbm>>
      %dma_wait3A_23 = tpu.memref_squeeze %dma_wait3A_22 : memref<1x40x128xi32, #tpu.memory_space<hbm>> -> memref<40x128xi32, #tpu.memory_space<hbm>>
      %dma_wait3A_24 = arith.constant 0 : i32
      %dma_wait3A_25 = arith.constant 0 : i32
      %dma_wait3A_26 = tpu.memref_slice %arg8[%add3A, %dma_wait3A_24, %dma_wait3A_25] : memref<32x40x128xi32, #tpu.memory_space<hbm>> -> memref<1x40x128xi32, #tpu.memory_space<hbm>>
      %dma_wait3A_27 = tpu.memref_squeeze %dma_wait3A_26 : memref<1x40x128xi32, #tpu.memory_space<hbm>> -> memref<40x128xi32, #tpu.memory_space<hbm>>
      tpu.wait_dma2 semaphore(%run_scoped3A : memref<!tpu.dma_semaphore, #tpu.memory_space<semaphore_mem>>) src(%dma_wait3A_27 : memref<40x128xi32, #tpu.memory_space<hbm>>) dst(%arg13 : memref<40x128xi32, #tpu.memory_space<vmem>>)
      tpu.yield
    }) : () -> ()
    %barrier3A = arith.constant 0 : index
    tpu.barrier barrier_id(%barrier3A)
    %scan3A = arith.constant 0 : i32
    %scan3A_3 = arith.constant 0 : i32
    %scan3A_4 = arith.constant 40 : i32
    %scan3A_5 = arith.addi %scan3A_3, %scan3A_4 : i32
    %scan3A_6 = arith.constant 1 : i32
    scf.for %scan3A_14 = %scan3A_3 to %scan3A_5 step %scan3A_6  : i32 {
      %dma_start3A = arith.constant 0 : i32
      %dma_start3A_15 = tpu.memref_slice %arg11[%scan3A_14, %dma_start3A] : memref<40x128xi32, #tpu.memory_space<vmem>> -> memref<1x128xi32, #tpu.memory_space<vmem>>
      %dma_start3A_16 = tpu.memref_squeeze %dma_start3A_15 : memref<1x128xi32, #tpu.memory_space<vmem>> -> memref<128xi32, #tpu.memory_space<vmem>>
      %dma_start3A_17 = arith.constant 0 : i32
      %dma_start3A_18 = arith.constant 0 : i32
      %dma_start3A_19 = tpu.memref_slice %arg2[%dma_start3A_17, %dma_start3A_18] : memref<80000x128xf32, #tpu.memory_space<hbm>> -> memref<80000x128xf32, #tpu.memory_space<hbm>>
      tpu.enqueue_indirect_dma source(%dma_start3A_19 : memref<80000x128xf32, #tpu.memory_space<hbm>>) target(%arg15 : memref<128x128xf32, #tpu.memory_space<vmem>>) offsets(%dma_start3A_16 : memref<128xi32, #tpu.memory_space<vmem>>) semaphore(%arg19 : memref<!tpu.dma_semaphore, #tpu.memory_space<semaphore_mem>>)
      %dma_start3A_20 = arith.constant 0 : i32
      %dma_start3A_21 = tpu.memref_slice %arg12[%scan3A_14, %dma_start3A_20] : memref<40x128xi32, #tpu.memory_space<vmem>> -> memref<1x128xi32, #tpu.memory_space<vmem>>
      %dma_start3A_22 = tpu.memref_squeeze %dma_start3A_21 : memref<1x128xi32, #tpu.memory_space<vmem>> -> memref<128xi32, #tpu.memory_space<vmem>>
      %dma_start3A_23 = arith.constant 0 : i32
      %dma_start3A_24 = arith.constant 0 : i32
      %dma_start3A_25 = tpu.memref_slice %arg3[%dma_start3A_23, %dma_start3A_24] : memref<10240x16xf32, #tpu.memory_space<hbm>> -> memref<10240x16xf32, #tpu.memory_space<hbm>>
      tpu.enqueue_indirect_dma source(%dma_start3A_25 : memref<10240x16xf32, #tpu.memory_space<hbm>>) target(%arg16 : memref<128x16xf32, #tpu.memory_space<vmem>>) offsets(%dma_start3A_22 : memref<128xi32, #tpu.memory_space<vmem>>) semaphore(%arg20 : memref<!tpu.dma_semaphore, #tpu.memory_space<semaphore_mem>>)
      %dma_start3A_26 = arith.constant 0 : i32
      %dma_start3A_27 = tpu.memref_slice %arg13[%scan3A_14, %dma_start3A_26] : memref<40x128xi32, #tpu.memory_space<vmem>> -> memref<1x128xi32, #tpu.memory_space<vmem>>
      %dma_start3A_28 = tpu.memref_squeeze %dma_start3A_27 : memref<1x128xi32, #tpu.memory_space<vmem>> -> memref<128xi32, #tpu.memory_space<vmem>>
      %dma_start3A_29 = arith.constant 0 : i32
      %dma_start3A_30 = arith.constant 0 : i32
      %dma_start3A_31 = tpu.memref_slice %arg4[%dma_start3A_29, %dma_start3A_30] : memref<10240x16xf32, #tpu.memory_space<hbm>> -> memref<10240x16xf32, #tpu.memory_space<hbm>>
      tpu.enqueue_indirect_dma source(%dma_start3A_31 : memref<10240x16xf32, #tpu.memory_space<hbm>>) target(%arg17 : memref<128x16xf32, #tpu.memory_space<vmem>>) offsets(%dma_start3A_28 : memref<128xi32, #tpu.memory_space<vmem>>) semaphore(%arg21 : memref<!tpu.dma_semaphore, #tpu.memory_space<semaphore_mem>>)
      "tpu.region"() ({
        %run_scoped3A = tpu.sem_alloc : memref<!tpu.dma_semaphore, #tpu.memory_space<semaphore_mem>>
        %dma_start3A_55 = arith.constant 0 : i32
        %dma_start3A_56 = arith.constant 0 : i32
        %dma_start3A_57 = tpu.memref_slice %arg5[%add3A, %scan3A_14, %dma_start3A_55, %dma_start3A_56] : memref<32x40x128x16xf32, #tpu.memory_space<hbm>> -> memref<1x1x128x16xf32, #tpu.memory_space<hbm>>
        %dma_start3A_58 = tpu.memref_squeeze %dma_start3A_57 : memref<1x1x128x16xf32, #tpu.memory_space<hbm>> -> memref<128x16xf32, #tpu.memory_space<hbm>>
        %dma_start3A_59 = arith.constant 0 : i32
        %dma_start3A_60 = arith.constant 0 : i32
        %dma_start3A_61 = tpu.memref_slice %arg5[%add3A, %scan3A_14, %dma_start3A_59, %dma_start3A_60] : memref<32x40x128x16xf32, #tpu.memory_space<hbm>> -> memref<1x1x128x16xf32, #tpu.memory_space<hbm>>
        %dma_start3A_62 = tpu.memref_squeeze %dma_start3A_61 : memref<1x1x128x16xf32, #tpu.memory_space<hbm>> -> memref<128x16xf32, #tpu.memory_space<hbm>>
        tpu.enqueue_dma source(%dma_start3A_62 : memref<128x16xf32, #tpu.memory_space<hbm>>) target(%arg14 : memref<128x16xf32, #tpu.memory_space<vmem>>) target_semaphore(%run_scoped3A : memref<!tpu.dma_semaphore, #tpu.memory_space<semaphore_mem>>)
        %dma_wait3A_63 = arith.constant 0 : i32
        %dma_wait3A_64 = arith.constant 0 : i32
        %dma_wait3A_65 = tpu.memref_slice %arg5[%add3A, %scan3A_14, %dma_wait3A_63, %dma_wait3A_64] : memref<32x40x128x16xf32, #tpu.memory_space<hbm>> -> memref<1x1x128x16xf32, #tpu.memory_space<hbm>>
        %dma_wait3A_66 = tpu.memref_squeeze %dma_wait3A_65 : memref<1x1x128x16xf32, #tpu.memory_space<hbm>> -> memref<128x16xf32, #tpu.memory_space<hbm>>
        %dma_wait3A_67 = arith.constant 0 : i32
        %dma_wait3A_68 = arith.constant 0 : i32
        %dma_wait3A_69 = tpu.memref_slice %arg5[%add3A, %scan3A_14, %dma_wait3A_67, %dma_wait3A_68] : memref<32x40x128x16xf32, #tpu.memory_space<hbm>> -> memref<1x1x128x16xf32, #tpu.memory_space<hbm>>
        %dma_wait3A_70 = tpu.memref_squeeze %dma_wait3A_69 : memref<1x1x128x16xf32, #tpu.memory_space<hbm>> -> memref<128x16xf32, #tpu.memory_space<hbm>>
        tpu.wait_dma2 semaphore(%run_scoped3A : memref<!tpu.dma_semaphore, #tpu.memory_space<semaphore_mem>>) src(%dma_wait3A_70 : memref<128x16xf32, #tpu.memory_space<hbm>>) dst(%arg14 : memref<128x16xf32, #tpu.memory_space<vmem>>)
        tpu.yield
      }) : () -> ()
      %dma_wait3A = arith.constant 0 : i32
      %dma_wait3A_32 = tpu.memref_slice %arg11[%scan3A_14, %dma_wait3A] : memref<40x128xi32, #tpu.memory_space<vmem>> -> memref<1x128xi32, #tpu.memory_space<vmem>>
      %dma_wait3A_33 = tpu.memref_squeeze %dma_wait3A_32 : memref<1x128xi32, #tpu.memory_space<vmem>> -> memref<128xi32, #tpu.memory_space<vmem>>
      %dma_wait3A_34 = arith.constant 0 : i32
      %dma_wait3A_35 = arith.constant 0 : i32
      %dma_wait3A_36 = tpu.memref_slice %arg2[%dma_wait3A_34, %dma_wait3A_35] : memref<80000x128xf32, #tpu.memory_space<hbm>> -> memref<80000x128xf32, #tpu.memory_space<hbm>>
      tpu.wait_indirect_dma semaphore(%arg19 : memref<!tpu.dma_semaphore, #tpu.memory_space<semaphore_mem>>) src(%dma_wait3A_36 : memref<80000x128xf32, #tpu.memory_space<hbm>>) dst(%arg15 : memref<128x128xf32, #tpu.memory_space<vmem>>)
      %dma_wait3A_37 = arith.constant 0 : i32
      %dma_wait3A_38 = tpu.memref_slice %arg12[%scan3A_14, %dma_wait3A_37] : memref<40x128xi32, #tpu.memory_space<vmem>> -> memref<1x128xi32, #tpu.memory_space<vmem>>
      %dma_wait3A_39 = tpu.memref_squeeze %dma_wait3A_38 : memref<1x128xi32, #tpu.memory_space<vmem>> -> memref<128xi32, #tpu.memory_space<vmem>>
      %dma_wait3A_40 = arith.constant 0 : i32
      %dma_wait3A_41 = arith.constant 0 : i32
      %dma_wait3A_42 = tpu.memref_slice %arg3[%dma_wait3A_40, %dma_wait3A_41] : memref<10240x16xf32, #tpu.memory_space<hbm>> -> memref<10240x16xf32, #tpu.memory_space<hbm>>
      tpu.wait_indirect_dma semaphore(%arg20 : memref<!tpu.dma_semaphore, #tpu.memory_space<semaphore_mem>>) src(%dma_wait3A_42 : memref<10240x16xf32, #tpu.memory_space<hbm>>) dst(%arg16 : memref<128x16xf32, #tpu.memory_space<vmem>>)
      %dma_wait3A_43 = arith.constant 0 : i32
      %dma_wait3A_44 = tpu.memref_slice %arg13[%scan3A_14, %dma_wait3A_43] : memref<40x128xi32, #tpu.memory_space<vmem>> -> memref<1x128xi32, #tpu.memory_space<vmem>>
      %dma_wait3A_45 = tpu.memref_squeeze %dma_wait3A_44 : memref<1x128xi32, #tpu.memory_space<vmem>> -> memref<128xi32, #tpu.memory_space<vmem>>
      %dma_wait3A_46 = arith.constant 0 : i32
      %dma_wait3A_47 = arith.constant 0 : i32
      %dma_wait3A_48 = tpu.memref_slice %arg4[%dma_wait3A_46, %dma_wait3A_47] : memref<10240x16xf32, #tpu.memory_space<hbm>> -> memref<10240x16xf32, #tpu.memory_space<hbm>>
      tpu.wait_indirect_dma semaphore(%arg21 : memref<!tpu.dma_semaphore, #tpu.memory_space<semaphore_mem>>) src(%dma_wait3A_48 : memref<10240x16xf32, #tpu.memory_space<hbm>>) dst(%arg17 : memref<128x16xf32, #tpu.memory_space<vmem>>)
      %scan3A_49 = arith.constant 0 : i32
      %scan3A_50 = arith.constant 0 : i32
      %scan3A_51 = arith.constant 128 : i32
      %scan3A_52 = arith.addi %scan3A_50, %scan3A_51 : i32
      %scan3A_53 = arith.constant 1 : i32
      scf.for %scan3A_55 = %scan3A_50 to %scan3A_52 step %scan3A_53  : i32 {
        %get3A = arith.index_cast %scan3A_55 : i32 to index
        %get3A_56 = arith.constant 0 : index
        %get3A_57 = tpu.vector_load %arg16[%get3A, %get3A_56] {strides = array<i32>} : memref<128x16xf32, #tpu.memory_space<vmem>>, vector<1x16xf32>,
        %get3A_58 = vector.shape_cast %get3A_57 : vector<1x16xf32> to vector<16xf32>
        %get3A_59 = arith.index_cast %scan3A_55 : i32 to index
        %get3A_60 = arith.constant 0 : index
        %get3A_61 = tpu.vector_load %arg17[%get3A_59, %get3A_60] {strides = array<i32>} : memref<128x16xf32, #tpu.memory_space<vmem>>, vector<1x16xf32>,
        %get3A_62 = vector.shape_cast %get3A_61 : vector<1x16xf32> to vector<16xf32>
        %add3A_63 = arith.addf %get3A_58, %get3A_62 : vector<16xf32>
        %get3A_64 = arith.index_cast %scan3A_55 : i32 to index
        %get3A_65 = arith.constant 0 : index
        %get3A_66 = tpu.vector_load %arg14[%get3A_64, %get3A_65] {strides = array<i32>} : memref<128x16xf32, #tpu.memory_space<vmem>>, vector<1x16xf32>,
        %get3A_67 = vector.shape_cast %get3A_66 : vector<1x16xf32> to vector<16xf32>
        %add3A_68 = arith.addf %add3A_63, %get3A_67 : vector<16xf32>
        %get3A_69 = arith.index_cast %scan3A_55 : i32 to index
        %get3A_70 = arith.constant 0 : index
        %get3A_71 = tpu.vector_load %arg15[%get3A_69, %get3A_70] {strides = array<i32>} : memref<128x128xf32, #tpu.memory_space<vmem>>, vector<1x16xf32>,
        %get3A_72 = vector.shape_cast %get3A_71 : vector<1x16xf32> to vector<16xf32>
        %mul3A_73 = arith.mulf %get3A_72, %add3A_68 : vector<16xf32>
        %swap3A = arith.index_cast %scan3A_55 : i32 to index
        %swap3A_74 = arith.constant 0 : index
        %swap3A_75 = tpu.vector_load %arg15[%swap3A, %swap3A_74] {strides = array<i32>} : memref<128x128xf32, #tpu.memory_space<vmem>>, vector<1x16xf32>,
        %swap3A_76 = vector.shape_cast %swap3A_75 : vector<1x16xf32> to vector<16xf32>
        %swap3A_77 = vector.shape_cast %mul3A_73 : vector<16xf32> to vector<1x16xf32>
        tpu.vector_store %arg15[%swap3A, %swap3A_74], %swap3A_77 {strides = array<i32>} : memref<128x128xf32, #tpu.memory_space<vmem>>, vector<1x16xf32>,
        %get3A_78 = arith.index_cast %scan3A_55 : i32 to index
        %get3A_79 = arith.constant 16 : index
        %get3A_80 = tpu.vector_load %arg15[%get3A_78, %get3A_79] {strides = array<i32>} : memref<128x128xf32, #tpu.memory_space<vmem>>, vector<1x16xf32>,
        %get3A_81 = vector.shape_cast %get3A_80 : vector<1x16xf32> to vector<16xf32>
        %mul3A_82 = arith.mulf %get3A_81, %add3A_68 : vector<16xf32>
        %swap3A_83 = arith.index_cast %scan3A_55 : i32 to index
        %swap3A_84 = arith.constant 16 : index
        %swap3A_85 = tpu.vector_load %arg15[%swap3A_83, %swap3A_84] {strides = array<i32>} : memref<128x128xf32, #tpu.memory_space<vmem>>, vector<1x16xf32>,
        %swap3A_86 = vector.shape_cast %swap3A_85 : vector<1x16xf32> to vector<16xf32>
        %swap3A_87 = vector.shape_cast %mul3A_82 : vector<16xf32> to vector<1x16xf32>
        tpu.vector_store %arg15[%swap3A_83, %swap3A_84], %swap3A_87 {strides = array<i32>} : memref<128x128xf32, #tpu.memory_space<vmem>>, vector<1x16xf32>,
        %get3A_88 = arith.index_cast %scan3A_55 : i32 to index
        %get3A_89 = arith.constant 32 : index
        %get3A_90 = tpu.vector_load %arg15[%get3A_88, %get3A_89] {strides = array<i32>} : memref<128x128xf32, #tpu.memory_space<vmem>>, vector<1x16xf32>,
        %get3A_91 = vector.shape_cast %get3A_90 : vector<1x16xf32> to vector<16xf32>
        %mul3A_92 = arith.mulf %get3A_91, %add3A_68 : vector<16xf32>
        %swap3A_93 = arith.index_cast %scan3A_55 : i32 to index
        %swap3A_94 = arith.constant 32 : index
        %swap3A_95 = tpu.vector_load %arg15[%swap3A_93, %swap3A_94] {strides = array<i32>} : memref<128x128xf32, #tpu.memory_space<vmem>>, vector<1x16xf32>,
        %swap3A_96 = vector.shape_cast %swap3A_95 : vector<1x16xf32> to vector<16xf32>
        %swap3A_97 = vector.shape_cast %mul3A_92 : vector<16xf32> to vector<1x16xf32>
        tpu.vector_store %arg15[%swap3A_93, %swap3A_94], %swap3A_97 {strides = array<i32>} : memref<128x128xf32, #tpu.memory_space<vmem>>, vector<1x16xf32>,
        %get3A_98 = arith.index_cast %scan3A_55 : i32 to index
        %get3A_99 = arith.constant 48 : index
        %get3A_100 = tpu.vector_load %arg15[%get3A_98, %get3A_99] {strides = array<i32>} : memref<128x128xf32, #tpu.memory_space<vmem>>, vector<1x16xf32>,
        %get3A_101 = vector.shape_cast %get3A_100 : vector<1x16xf32> to vector<16xf32>
        %mul3A_102 = arith.mulf %get3A_101, %add3A_68 : vector<16xf32>
        %swap3A_103 = arith.index_cast %scan3A_55 : i32 to index
        %swap3A_104 = arith.constant 48 : index
        %swap3A_105 = tpu.vector_load %arg15[%swap3A_103, %swap3A_104] {strides = array<i32>} : memref<128x128xf32, #tpu.memory_space<vmem>>, vector<1x16xf32>,
        %swap3A_106 = vector.shape_cast %swap3A_105 : vector<1x16xf32> to vector<16xf32>
        %swap3A_107 = vector.shape_cast %mul3A_102 : vector<16xf32> to vector<1x16xf32>
        tpu.vector_store %arg15[%swap3A_103, %swap3A_104], %swap3A_107 {strides = array<i32>} : memref<128x128xf32, #tpu.memory_space<vmem>>, vector<1x16xf32>,
        %get3A_108 = arith.index_cast %scan3A_55 : i32 to index
        %get3A_109 = arith.constant 64 : index
        %get3A_110 = tpu.vector_load %arg15[%get3A_108, %get3A_109] {strides = array<i32>} : memref<128x128xf32, #tpu.memory_space<vmem>>, vector<1x16xf32>,
        %get3A_111 = vector.shape_cast %get3A_110 : vector<1x16xf32> to vector<16xf32>
        %mul3A_112 = arith.mulf %get3A_111, %add3A_68 : vector<16xf32>
        %swap3A_113 = arith.index_cast %scan3A_55 : i32 to index
        %swap3A_114 = arith.constant 64 : index
        %swap3A_115 = tpu.vector_load %arg15[%swap3A_113, %swap3A_114] {strides = array<i32>} : memref<128x128xf32, #tpu.memory_space<vmem>>, vector<1x16xf32>,
        %swap3A_116 = vector.shape_cast %swap3A_115 : vector<1x16xf32> to vector<16xf32>
        %swap3A_117 = vector.shape_cast %mul3A_112 : vector<16xf32> to vector<1x16xf32>
        tpu.vector_store %arg15[%swap3A_113, %swap3A_114], %swap3A_117 {strides = array<i32>} : memref<128x128xf32, #tpu.memory_space<vmem>>, vector<1x16xf32>,
        %get3A_118 = arith.index_cast %scan3A_55 : i32 to index
        %get3A_119 = arith.constant 80 : index
        %get3A_120 = tpu.vector_load %arg15[%get3A_118, %get3A_119] {strides = array<i32>} : memref<128x128xf32, #tpu.memory_space<vmem>>, vector<1x16xf32>,
        %get3A_121 = vector.shape_cast %get3A_120 : vector<1x16xf32> to vector<16xf32>
        %mul3A_122 = arith.mulf %get3A_121, %add3A_68 : vector<16xf32>
        %swap3A_123 = arith.index_cast %scan3A_55 : i32 to index
        %swap3A_124 = arith.constant 80 : index
        %swap3A_125 = tpu.vector_load %arg15[%swap3A_123, %swap3A_124] {strides = array<i32>} : memref<128x128xf32, #tpu.memory_space<vmem>>, vector<1x16xf32>,
        %swap3A_126 = vector.shape_cast %swap3A_125 : vector<1x16xf32> to vector<16xf32>
        %swap3A_127 = vector.shape_cast %mul3A_122 : vector<16xf32> to vector<1x16xf32>
        tpu.vector_store %arg15[%swap3A_123, %swap3A_124], %swap3A_127 {strides = array<i32>} : memref<128x128xf32, #tpu.memory_space<vmem>>, vector<1x16xf32>,
        %get3A_128 = arith.index_cast %scan3A_55 : i32 to index
        %get3A_129 = arith.constant 96 : index
        %get3A_130 = tpu.vector_load %arg15[%get3A_128, %get3A_129] {strides = array<i32>} : memref<128x128xf32, #tpu.memory_space<vmem>>, vector<1x16xf32>,
        %get3A_131 = vector.shape_cast %get3A_130 : vector<1x16xf32> to vector<16xf32>
        %mul3A_132 = arith.mulf %get3A_131, %add3A_68 : vector<16xf32>
        %swap3A_133 = arith.index_cast %scan3A_55 : i32 to index
        %swap3A_134 = arith.constant 96 : index
        %swap3A_135 = tpu.vector_load %arg15[%swap3A_133, %swap3A_134] {strides = array<i32>} : memref<128x128xf32, #tpu.memory_space<vmem>>, vector<1x16xf32>,
        %swap3A_136 = vector.shape_cast %swap3A_135 : vector<1x16xf32> to vector<16xf32>
        %swap3A_137 = vector.shape_cast %mul3A_132 : vector<16xf32> to vector<1x16xf32>
        tpu.vector_store %arg15[%swap3A_133, %swap3A_134], %swap3A_137 {strides = array<i32>} : memref<128x128xf32, #tpu.memory_space<vmem>>, vector<1x16xf32>,
        %get3A_138 = arith.index_cast %scan3A_55 : i32 to index
        %get3A_139 = arith.constant 112 : index
        %get3A_140 = tpu.vector_load %arg15[%get3A_138, %get3A_139] {strides = array<i32>} : memref<128x128xf32, #tpu.memory_space<vmem>>, vector<1x16xf32>,
        %get3A_141 = vector.shape_cast %get3A_140 : vector<1x16xf32> to vector<16xf32>
        %mul3A_142 = arith.mulf %get3A_141, %add3A_68 : vector<16xf32>
        %swap3A_143 = arith.index_cast %scan3A_55 : i32 to index
        %swap3A_144 = arith.constant 112 : index
        %swap3A_145 = tpu.vector_load %arg15[%swap3A_143, %swap3A_144] {strides = array<i32>} : memref<128x128xf32, #tpu.memory_space<vmem>>, vector<1x16xf32>,
        %swap3A_146 = vector.shape_cast %swap3A_145 : vector<1x16xf32> to vector<16xf32>
        %swap3A_147 = vector.shape_cast %mul3A_142 : vector<16xf32> to vector<1x16xf32>
        tpu.vector_store %arg15[%swap3A_143, %swap3A_144], %swap3A_147 {strides = array<i32>} : memref<128x128xf32, #tpu.memory_space<vmem>>, vector<1x16xf32>,
      }
      %scan3A_54 = arith.constant 128 : i32
      "tpu.region"() ({
        %run_scoped3A = tpu.sem_alloc : memref<!tpu.dma_semaphore, #tpu.memory_space<semaphore_mem>>
        %dma_start3A_55 = arith.constant 0 : i32
        %dma_start3A_56 = tpu.memref_slice %arg13[%scan3A_14, %dma_start3A_55] : memref<40x128xi32, #tpu.memory_space<vmem>> -> memref<1x128xi32, #tpu.memory_space<vmem>>
        %dma_start3A_57 = tpu.memref_squeeze %dma_start3A_56 : memref<1x128xi32, #tpu.memory_space<vmem>> -> memref<128xi32, #tpu.memory_space<vmem>>
        %dma_start3A_58 = arith.constant 0 : i32
        %dma_start3A_59 = arith.constant 0 : i32
        %dma_start3A_60 = tpu.memref_slice %arg18[%dma_start3A_58, %dma_start3A_59] : memref<10240x128xf32, #tpu.memory_space<vmem_shared>> -> memref<10240x128xf32, #tpu.memory_space<vmem_shared>>
        tpu.enqueue_indirect_dma source(%arg15 : memref<128x128xf32, #tpu.memory_space<vmem>>) target(%dma_start3A_60 : memref<10240x128xf32, #tpu.memory_space<vmem_shared>>) offsets(%dma_start3A_57 : memref<128xi32, #tpu.memory_space<vmem>>) semaphore(%run_scoped3A : memref<!tpu.dma_semaphore, #tpu.memory_space<semaphore_mem>>) {add = true}
        %dma_wait3A_61 = arith.constant 0 : i32
        %dma_wait3A_62 = tpu.memref_slice %arg13[%scan3A_14, %dma_wait3A_61] : memref<40x128xi32, #tpu.memory_space<vmem>> -> memref<1x128xi32, #tpu.memory_space<vmem>>
        %dma_wait3A_63 = tpu.memref_squeeze %dma_wait3A_62 : memref<1x128xi32, #tpu.memory_space<vmem>> -> memref<128xi32, #tpu.memory_space<vmem>>
        %dma_wait3A_64 = arith.constant 0 : i32
        %dma_wait3A_65 = arith.constant 0 : i32
        %dma_wait3A_66 = tpu.memref_slice %arg18[%dma_wait3A_64, %dma_wait3A_65] : memref<10240x128xf32, #tpu.memory_space<vmem_shared>> -> memref<10240x128xf32, #tpu.memory_space<vmem_shared>>
        tpu.wait_indirect_dma semaphore(%run_scoped3A : memref<!tpu.dma_semaphore, #tpu.memory_space<semaphore_mem>>) src(%arg15 : memref<128x128xf32, #tpu.memory_space<vmem>>) dst(%dma_wait3A_66 : memref<10240x128xf32, #tpu.memory_space<vmem_shared>>)
        tpu.yield
      }) : () -> ()
    }
    %scan3A_7 = arith.constant 40 : i32
    %barrier3A_8 = arith.constant 0 : index
    tpu.barrier barrier_id(%barrier3A_8)
    %mul3A_9 = arith.constant 640 : i32
    %mul3A_10 = arith.muli %arg1, %mul3A_9 : i32
    %mul3A_11 = arith.constant 10240 : i32
    %mul3A_12 = arith.muli %arg0, %mul3A_11 : i32
    %add3A_13 = arith.addi %mul3A_12, %mul3A_10 : i32
    "tpu.region"() ({
      %run_scoped3A = tpu.sem_alloc : memref<!tpu.dma_semaphore, #tpu.memory_space<semaphore_mem>>
      %dma_start3A = arith.constant 0 : i32
      %dma_start3A_14 = tpu.memref_slice %arg10[%add3A_13, %dma_start3A] : memref<20480x128xf32, #tpu.memory_space<hbm>> -> memref<640x128xf32, #tpu.memory_space<hbm>>
      %dma_start3A_15 = arith.constant 0 : i32
      %dma_start3A_16 = tpu.memref_slice %arg18[%mul3A_10, %dma_start3A_15] : memref<10240x128xf32, #tpu.memory_space<vmem_shared>> -> memref<640x128xf32, #tpu.memory_space<vmem_shared>>
      tpu.enqueue_dma source(%dma_start3A_16 : memref<640x128xf32, #tpu.memory_space<vmem_shared>>) target(%dma_start3A_14 : memref<640x128xf32, #tpu.memory_space<hbm>>) target_semaphore(%run_scoped3A : memref<!tpu.dma_semaphore, #tpu.memory_space<semaphore_mem>>)
      %dma_wait3A = arith.constant 0 : i32
      %dma_wait3A_17 = tpu.memref_slice %arg10[%add3A_13, %dma_wait3A] : memref<20480x128xf32, #tpu.memory_space<hbm>> -> memref<640x128xf32, #tpu.memory_space<hbm>>
      %dma_wait3A_18 = arith.constant 0 : i32
      %dma_wait3A_19 = tpu.memref_slice %arg18[%mul3A_10, %dma_wait3A_18] : memref<10240x128xf32, #tpu.memory_space<vmem_shared>> -> memref<640x128xf32, #tpu.memory_space<vmem_shared>>
      tpu.wait_dma2 semaphore(%run_scoped3A : memref<!tpu.dma_semaphore, #tpu.memory_space<semaphore_mem>>) src(%dma_wait3A_19 : memref<640x128xf32, #tpu.memory_space<vmem_shared>>) dst(%dma_wait3A_17 : memref<640x128xf32, #tpu.memory_space<hbm>>)
      tpu.yield
    }) : () -> ()
    return
  }
}

module attributes {stable_mosaic.version = 14 : i64} {
  func.func @_uvw_body(%arg0: memref<3x128xf32, #tpu.memory_space<vmem>>, %arg1: memref<128x128xf32, #tpu.memory_space<vmem>>, %arg2: memref<3x128xf32, #tpu.memory_space<vmem>>) attributes {dimension_semantics = [], scalar_prefetch = 0 : i64, scratch_operands = 0 : i64, tpu.core_type = #tpu.core_type<tc>} {
    %get3A = arith.constant 0 : index
    %get3A_0 = arith.constant 0 : index
    %get3A_1 = vector.load %arg0[%get3A, %get3A_0] : memref<3x128xf32, #tpu.memory_space<vmem>>, vector<3x128xf32>
    %get3A_2 = arith.constant 0 : index
    %get3A_3 = arith.constant 0 : index
    %get3A_4 = vector.load %arg1[%get3A_2, %get3A_3] : memref<128x128xf32, #tpu.memory_space<vmem>>, vector<128x128xf32>
    %dot_general3A = arith.constant dense<0.000000e+00> : vector<3x128xf32>
    %dot_general3A_5 = tpu.matmul %get3A_1, %get3A_4, %dot_general3A {dimension_numbers = #tpu.dot_dimension_numbers<[1], [0], [0], [1], [0, 0, 1, 1], [], []>, transpose_lhs_hint = false} : vector<3x128xf32>, vector<128x128xf32>, vector<3x128xf32> -> vector<3x128xf32>
    %swap3A = arith.constant 0 : index
    %swap3A_6 = arith.constant 0 : index
    %swap3A_7 = vector.load %arg2[%swap3A, %swap3A_6] : memref<3x128xf32, #tpu.memory_space<vmem>>, vector<3x128xf32>
    tpu.vector_store %arg2[%swap3A, %swap3A_6], %dot_general3A_5 {strides = array<i32>} : memref<3x128xf32, #tpu.memory_space<vmem>>, vector<3x128xf32>,
    return
  }
}

module attributes {stable_mosaic.version = 14 : i64} {
  func.func @_s16_body(%arg0: i32, %arg1: memref<1024x128xf32, #tpu.memory_space<vmem>>, %arg2: memref<128x16xf32, #tpu.memory_space<vmem>>, %arg3: memref<128x16xf32, #tpu.memory_space<vmem>>, %arg4: memref<1024x16xf32, #tpu.memory_space<vmem>>, %arg5: memref<1024x16xf32, #tpu.memory_space<vmem>>) attributes {dimension_semantics = [#tpu.dimension_semantics<arbitrary>], iteration_bounds = array<i64: 10>, scalar_prefetch = 0 : i64, scratch_operands = 0 : i64, tpu.core_type = #tpu.core_type<tc>, window_params = [{transform_indices = @transform_0, window_bounds = array<i64: 1024, 128>}, {pipeline_mode = #tpu.pipeline_mode<synchronous>, transform_indices = @transform_1, window_bounds = array<i64: 128, 16>}, {pipeline_mode = #tpu.pipeline_mode<synchronous>, transform_indices = @transform_2, window_bounds = array<i64: 128, 16>}, {transform_indices = @transform_3, window_bounds = array<i64: 1024, 16>}, {transform_indices = @transform_4, window_bounds = array<i64: 1024, 16>}]} {
    %get3A = arith.constant 0 : index
    %get3A_0 = arith.constant 0 : index
    %get3A_1 = vector.load %arg1[%get3A, %get3A_0] : memref<1024x128xf32, #tpu.memory_space<vmem>>, vector<1024x128xf32>
    %get3A_2 = arith.constant 0 : index
    %get3A_3 = arith.constant 0 : index
    %get3A_4 = vector.load %arg2[%get3A_2, %get3A_3] : memref<128x16xf32, #tpu.memory_space<vmem>>, vector<128x16xf32>
    %dot_general3A = arith.constant dense<0.000000e+00> : vector<1024x16xf32>
    %dot_general3A_5 = tpu.matmul %get3A_1, %get3A_4, %dot_general3A {dimension_numbers = #tpu.dot_dimension_numbers<[1], [0], [0], [1], [0, 0, 1, 1], [], []>, transpose_lhs_hint = false} : vector<1024x128xf32>, vector<128x16xf32>, vector<1024x16xf32> -> vector<1024x16xf32>
    %swap3A = arith.constant 0 : index
    %swap3A_6 = arith.constant 0 : index
    %swap3A_7 = vector.load %arg4[%swap3A, %swap3A_6] : memref<1024x16xf32, #tpu.memory_space<vmem>>, vector<1024x16xf32>
    tpu.vector_store %arg4[%swap3A, %swap3A_6], %dot_general3A_5 {strides = array<i32>} : memref<1024x16xf32, #tpu.memory_space<vmem>>, vector<1024x16xf32>,
    %get3A_8 = arith.constant 0 : index
    %get3A_9 = arith.constant 0 : index
    %get3A_10 = vector.load %arg1[%get3A_8, %get3A_9] : memref<1024x128xf32, #tpu.memory_space<vmem>>, vector<1024x128xf32>
    %get3A_11 = arith.constant 0 : index
    %get3A_12 = arith.constant 0 : index
    %get3A_13 = vector.load %arg3[%get3A_11, %get3A_12] : memref<128x16xf32, #tpu.memory_space<vmem>>, vector<128x16xf32>
    %dot_general3A_14 = arith.constant dense<0.000000e+00> : vector<1024x16xf32>
    %dot_general3A_15 = tpu.matmul %get3A_10, %get3A_13, %dot_general3A_14 {dimension_numbers = #tpu.dot_dimension_numbers<[1], [0], [0], [1], [0, 0, 1, 1], [], []>, transpose_lhs_hint = false} : vector<1024x128xf32>, vector<128x16xf32>, vector<1024x16xf32> -> vector<1024x16xf32>
    %swap3A_16 = arith.constant 0 : index
    %swap3A_17 = arith.constant 0 : index
    %swap3A_18 = vector.load %arg5[%swap3A_16, %swap3A_17] : memref<1024x16xf32, #tpu.memory_space<vmem>>, vector<1024x16xf32>
    tpu.vector_store %arg5[%swap3A_16, %swap3A_17], %dot_general3A_15 {strides = array<i32>} : memref<1024x16xf32, #tpu.memory_space<vmem>>, vector<1024x16xf32>,
    return
  }
  func.func @transform_0(%arg0: i32) -> (i32, i32) {
    %c0_i32 = arith.constant 0 : i32
    %c0_i32_0 = arith.constant 0 : i32
    return %arg0, %c0_i32 : i32, i32
  }
  func.func @transform_1(%arg0: i32) -> (i32, i32) {
    %c0_i32 = arith.constant 0 : i32
    %c0_i32_0 = arith.constant 0 : i32
    %c0_i32_1 = arith.constant 0 : i32
    return %c0_i32, %c0_i32_0 : i32, i32
  }
  func.func @transform_2(%arg0: i32) -> (i32, i32) {
    %c0_i32 = arith.constant 0 : i32
    %c0_i32_0 = arith.constant 0 : i32
    %c0_i32_1 = arith.constant 0 : i32
    return %c0_i32, %c0_i32_0 : i32, i32
  }
  func.func @transform_3(%arg0: i32) -> (i32, i32) {
    %c0_i32 = arith.constant 0 : i32
    %c0_i32_0 = arith.constant 0 : i32
    return %arg0, %c0_i32 : i32, i32
  }
  func.func @transform_4(%arg0: i32) -> (i32, i32) {
    %c0_i32 = arith.constant 0 : i32
    %c0_i32_0 = arith.constant 0 : i32
    return %arg0, %c0_i32 : i32, i32
  }
}

module attributes {stable_mosaic.version = 14 : i64} {
  func.func @_t16_body(%arg0: i32, %arg1: memref<16384x128xf32, #tpu.memory_space<vmem>>, %arg2: memref<128x16xf32, #tpu.memory_space<vmem>>, %arg3: memref<16384x16xf32, #tpu.memory_space<vmem>>) attributes {dimension_semantics = [#tpu.dimension_semantics<arbitrary>], iteration_bounds = array<i64: 10>, scalar_prefetch = 0 : i64, scratch_operands = 0 : i64, tpu.core_type = #tpu.core_type<tc>, window_params = [{transform_indices = @transform_0, window_bounds = array<i64: 16384, 128>}, {pipeline_mode = #tpu.pipeline_mode<synchronous>, transform_indices = @transform_1, window_bounds = array<i64: 128, 16>}, {transform_indices = @transform_2, window_bounds = array<i64: 16384, 16>}]} {
    %get3A = arith.constant 0 : index
    %get3A_0 = arith.constant 0 : index
    %get3A_1 = vector.load %arg1[%get3A, %get3A_0] : memref<16384x128xf32, #tpu.memory_space<vmem>>, vector<16384x128xf32>
    %get3A_2 = arith.constant 0 : index
    %get3A_3 = arith.constant 0 : index
    %get3A_4 = vector.load %arg2[%get3A_2, %get3A_3] : memref<128x16xf32, #tpu.memory_space<vmem>>, vector<128x16xf32>
    %dot_general3A = arith.constant dense<0.000000e+00> : vector<16384x16xf32>
    %dot_general3A_5 = tpu.matmul %get3A_1, %get3A_4, %dot_general3A {dimension_numbers = #tpu.dot_dimension_numbers<[1], [0], [0], [1], [0, 0, 1, 1], [], []>, transpose_lhs_hint = false} : vector<16384x128xf32>, vector<128x16xf32>, vector<16384x16xf32> -> vector<16384x16xf32>
    %swap3A = arith.constant 0 : index
    %swap3A_6 = arith.constant 0 : index
    %swap3A_7 = vector.load %arg3[%swap3A, %swap3A_6] : memref<16384x16xf32, #tpu.memory_space<vmem>>, vector<16384x16xf32>
    tpu.vector_store %arg3[%swap3A, %swap3A_6], %dot_general3A_5 {strides = array<i32>} : memref<16384x16xf32, #tpu.memory_space<vmem>>, vector<16384x16xf32>,
    return
  }
  func.func @transform_0(%arg0: i32) -> (i32, i32) {
    %c0_i32 = arith.constant 0 : i32
    %c0_i32_0 = arith.constant 0 : i32
    return %arg0, %c0_i32 : i32, i32
  }
  func.func @transform_1(%arg0: i32) -> (i32, i32) {
    %c0_i32 = arith.constant 0 : i32
    %c0_i32_0 = arith.constant 0 : i32
    %c0_i32_1 = arith.constant 0 : i32
    return %c0_i32, %c0_i32_0 : i32, i32
  }
  func.func @transform_2(%arg0: i32) -> (i32, i32) {
    %c0_i32 = arith.constant 0 : i32
    %c0_i32_0 = arith.constant 0 : i32
    return %arg0, %c0_i32 : i32, i32
  }
}

module attributes {stable_mosaic.version = 14 : i64} {
  func.func @_y_body(%arg0: i32, %arg1: memref<10000x128xf32, #tpu.memory_space<vmem>>, %arg2: memref<1x128x128xf32, #tpu.memory_space<vmem>>, %arg3: memref<10000x128xf32, #tpu.memory_space<vmem>>) attributes {dimension_semantics = [#tpu.dimension_semantics<arbitrary>], iteration_bounds = array<i64: 8>, scalar_prefetch = 0 : i64, scratch_operands = 0 : i64, tpu.core_type = #tpu.core_type<tc>, window_params = [{pipeline_mode = #tpu.pipeline_mode<synchronous>, transform_indices = @transform_0, window_bounds = array<i64: 10000, 128>}, {transform_indices = @transform_1, window_bounds = array<i64: 1, 128, 128>}, {transform_indices = @transform_2, window_bounds = array<i64: 10000, 128>}]} {
    %get3A = arith.constant 0 : index
    %get3A_0 = arith.constant 0 : index
    %get3A_1 = vector.load %arg1[%get3A, %get3A_0] : memref<10000x128xf32, #tpu.memory_space<vmem>>, vector<10000x128xf32>
    %get3A_2 = arith.constant 0 : index
    %get3A_3 = arith.constant 0 : index
    %get3A_4 = arith.constant 0 : index
    %get3A_5 = vector.load %arg2[%get3A_2, %get3A_3, %get3A_4] : memref<1x128x128xf32, #tpu.memory_space<vmem>>, vector<1x128x128xf32>
    %get3A_6 = vector.shape_cast %get3A_5 : vector<1x128x128xf32> to vector<128x128xf32>
    %dot_general3A = arith.constant dense<0.000000e+00> : vector<10000x128xf32>
    %dot_general3A_7 = tpu.matmul %get3A_1, %get3A_6, %dot_general3A {dimension_numbers = #tpu.dot_dimension_numbers<[1], [0], [0], [1], [0, 0, 1, 1], [], []>, transpose_lhs_hint = false} : vector<10000x128xf32>, vector<128x128xf32>, vector<10000x128xf32> -> vector<10000x128xf32>
    %swap3A = arith.constant 0 : index
    %swap3A_8 = arith.constant 0 : index
    %swap3A_9 = vector.load %arg3[%swap3A, %swap3A_8] : memref<10000x128xf32, #tpu.memory_space<vmem>>, vector<10000x128xf32>
    tpu.vector_store %arg3[%swap3A, %swap3A_8], %dot_general3A_7 {strides = array<i32>} : memref<10000x128xf32, #tpu.memory_space<vmem>>, vector<10000x128xf32>,
    return
  }
  func.func @transform_0(%arg0: i32) -> (i32, i32) {
    %c0_i32 = arith.constant 0 : i32
    %c0_i32_0 = arith.constant 0 : i32
    %c0_i32_1 = arith.constant 0 : i32
    return %c0_i32, %c0_i32_0 : i32, i32
  }
  func.func @transform_1(%arg0: i32) -> (i32, i32, i32) {
    %c0_i32 = arith.constant 0 : i32
    %c0_i32_0 = arith.constant 0 : i32
    %c0_i32_1 = arith.constant 0 : i32
    return %arg0, %c0_i32, %c0_i32_0 : i32, i32, i32
  }
  func.func @transform_2(%arg0: i32) -> (i32, i32) {
    %c0_i32 = arith.constant 0 : i32
    %c0_i32_0 = arith.constant 0 : i32
    return %arg0, %c0_i32 : i32, i32
  }
}

module attributes {stable_mosaic.version = 14 : i64} {
  func.func @_gidx_body(%arg0: memref<1280x128xi32, #tpu.memory_space<vmem>>, %arg1: memref<1280x128xi32, #tpu.memory_space<vmem>>, %arg2: memref<1280x128xi32, #tpu.memory_space<vmem>>) attributes {dimension_semantics = [], scalar_prefetch = 0 : i64, scratch_operands = 0 : i64, tpu.core_type = #tpu.core_type<tc>} {
    %get3A = arith.constant 0 : index
    %get3A_0 = arith.constant 0 : index
    %get3A_1 = vector.load %arg0[%get3A, %get3A_0] : memref<1280x128xi32, #tpu.memory_space<vmem>>, vector<1280x128xi32>
    %mul3A = arith.constant 10000 : i32
    %mul3A_2 = vector.broadcast %mul3A : i32 to vector<1280x128xi32>
    %mul3A_3 = arith.muli %get3A_1, %mul3A_2 : vector<1280x128xi32>
    %get3A_4 = arith.constant 0 : index
    %get3A_5 = arith.constant 0 : index
    %get3A_6 = vector.load %arg1[%get3A_4, %get3A_5] : memref<1280x128xi32, #tpu.memory_space<vmem>>, vector<1280x128xi32>
    %add3A = arith.addi %mul3A_3, %get3A_6 : vector<1280x128xi32>
    %swap3A = arith.constant 0 : index
    %swap3A_7 = arith.constant 0 : index
    %swap3A_8 = vector.load %arg2[%swap3A, %swap3A_7] : memref<1280x128xi32, #tpu.memory_space<vmem>>, vector<1280x128xi32>
    tpu.vector_store %arg2[%swap3A, %swap3A_7], %add3A {strides = array<i32>} : memref<1280x128xi32, #tpu.memory_space<vmem>>, vector<1280x128xi32>,
    return
  }
}

module attributes {stable_mosaic.version = 14 : i64} {
  func.func @_add_body(%arg0: i32, %arg1: memref<1024x128xf32, #tpu.memory_space<vmem>>, %arg2: memref<1024x128xf32, #tpu.memory_space<vmem>>, %arg3: memref<1024x128xf32, #tpu.memory_space<vmem>>) attributes {dimension_semantics = [#tpu.dimension_semantics<arbitrary>], iteration_bounds = array<i64: 10>, scalar_prefetch = 0 : i64, scratch_operands = 0 : i64, tpu.core_type = #tpu.core_type<tc>, window_params = [{transform_indices = @transform_0, window_bounds = array<i64: 1024, 128>}, {transform_indices = @transform_1, window_bounds = array<i64: 1024, 128>}, {transform_indices = @transform_2, window_bounds = array<i64: 1024, 128>}]} {
    %get3A = arith.constant 0 : index
    %get3A_0 = arith.constant 0 : index
    %get3A_1 = vector.load %arg1[%get3A, %get3A_0] : memref<1024x128xf32, #tpu.memory_space<vmem>>, vector<1024x128xf32>
    %get3A_2 = arith.constant 0 : index
    %get3A_3 = arith.constant 0 : index
    %get3A_4 = vector.load %arg2[%get3A_2, %get3A_3] : memref<1024x128xf32, #tpu.memory_space<vmem>>, vector<1024x128xf32>
    %add3A = arith.addf %get3A_1, %get3A_4 : vector<1024x128xf32>
    %swap3A = arith.constant 0 : index
    %swap3A_5 = arith.constant 0 : index
    %swap3A_6 = vector.load %arg3[%swap3A, %swap3A_5] : memref<1024x128xf32, #tpu.memory_space<vmem>>, vector<1024x128xf32>
    tpu.vector_store %arg3[%swap3A, %swap3A_5], %add3A {strides = array<i32>} : memref<1024x128xf32, #tpu.memory_space<vmem>>, vector<1024x128xf32>,
    return
  }
  func.func @transform_0(%arg0: i32) -> (i32, i32) {
    %c0_i32 = arith.constant 0 : i32
    %c0_i32_0 = arith.constant 0 : i32
    return %arg0, %c0_i32 : i32, i32
  }
  func.func @transform_1(%arg0: i32) -> (i32, i32) {
    %add3A = arith.constant 10 : i32
    %add3A_0 = arith.addi %arg0, %add3A : i32
    %c0_i32 = arith.constant 0 : i32
    %c0_i32_1 = arith.constant 0 : i32
    return %add3A_0, %c0_i32 : i32, i32
  }
  func.func @transform_2(%arg0: i32) -> (i32, i32) {
    %c0_i32 = arith.constant 0 : i32
    %c0_i32_0 = arith.constant 0 : i32
    return %arg0, %c0_i32 : i32, i32
  }
}

</mosaic_0001>

<sc_bundles>
// kernel: kernel.9.cloned.1.call-start
scs
__scs_entry_jumppad:
0x0: {  	(pc) =	sbr.rel $0x88, $3  }
0x1: {  	(tag) =	ssettag $0x0;
	lr =	simm.s32 $0x1  }
0x2: {  	[smem:$0x3F9A] =	sst lr;
	_ =	strace $0xD0000000  }
0x3: {  	_ = 	snop  }
0x4: {  	_ = 	snop  }
0x5: {  	_ = 	snop  }
0x6: {  	_ = 	snop  }
0x7: {  	_ = 	snop  }
__scs_overlays_trampoline_lowered:
0x8: {  	[smem:$0x3FA9] =	sst s0  }
0x9: {  	[smem:$0x3FAA] =	sst s1  }
0xa: {  	[smem:$0x3FAB] =	sst s2  }
0xb: {  	[smem:$0x3FAC] =	sst s3  }
0xc: {  	[smem:$0x3FAD] =	sst s4  }
0xd: {  	[smem:$0x3FAE] =	sst s5  }
0xe: {  	[smem:$0x3FAF] =	sst s6  }
0xf: {  	[smem:$0x3FB0] =	sst s7  }
0x10: {  	[smem:$0x3FB1] =	sst s8  }
0x11: {  	[smem:$0x3FB2] =	sst s9;
	s0 =	simm.s32 @!p0 $0x0  }
0x12: {  	s1 =	sld [smem:$0x3F98];
	s0 =	simm.s32 @p0 $0x1  }
0x13: {  	[smem:$0x3FB3] =	sst s0;
	s0 =	simm.s32 @!p1 $0x0  }
0x14: {  	s2 =	sld [smem:$0x3F97];
	s0 =	simm.s32 @p1 $0x1  }
0x15: {  	[smem:$0x3FB4] =	sst s0;
	s0 =	simm.s32 @!p2 $0x0  }
0x16: {  	s3 =	sld [smem:$0x3FDB];
	s0 =	simm.s32 @p2 $0x1  }
0x17: {  	s4 =	simm.s32 $0x1BF5;
	[smem:$0x3FB6] =	sst s0  }
0x18: {  	s0 =	sld [smem:$0x3F99];
	_ =	swait.ge [sflag:s4], $0x0  }
0x19: {  	s7 =	sld [smem:$0x3F9A]  }
0x1a: {  	s8 =	sadd.s32 $0xFFFFE003, lr  }
0x1b: {  	s9 =	sadd.s32 $0xFFFFFEF7, lr;
	s5 =	simm.s32 $0xFFFFFFFF;
	p2 =	slt.u32 s8, $0xFFFFF086  }
0x1c: {  	p1 =	slt.u32 s9, $0xF7A;
	s5 =	simm.s32 @!p2 $0x0  }
0x1d: {  	s5 =	simm.s32 @p1 $0x1;
	p0 =	seq.s32 s7, s2  }
0x1e: {  	s7 =	smul.u32 @!p0 $0xF7A, s2;
	p2 =	seq.s32 @!p0 s5, $0x0  }
0x1f: {  	s9 =	smul.u32 $0xF7A, s1;
	s8 =	simm.s32 @!p0 $0x1BF5;
	p2 =	por !p2, p0  }
0x20: {  	[sflag:s8] =	ssyncset.s32 @!p0 $0xFFFFF086;
	s6 =	sadd.s32 @!p0 s3, s7;
	s7 =	simm.s32 @!p0 $0x108  }
0x21: {  	s3 =	sadd.s32 s3, s9;
	s6 =	sadd.s32 @!p0 $0x88, s6;
	s7 =	simm.s32 @p2 $0x1082  }
0x22: {  	[simem:s7], [sflag:s8] =	dma.local @!p0 [hbm:s6], $0xF7A  }
0x23: {  	s9 =	sor.u32 $0xD0000000, s2;
	s6 =	simm.s32 $0x108;
	_ =	swait.ge @!p0 [sflag:s8], $0x0  }
0x24: {  	s3 =	sadd.s32 $0x88, s3;
	s6 =	simm.s32 @!p1 $0x1082;
	[sflag:s4] =	ssyncset.s32 $0xFFFFF086  }
0x25: {  	[simem:s6], [sflag:s4] =	dma.local [hbm:s3], $0xF7A  }
0x26: {  	[smem:$0x3F9A] =	sst s1;
	(tag) =	ssettag s2;
	_ =	strace s9  }
0x27: {  	s1 =	sld [smem:$0x3FAA]  }
0x28: {  	s2 =	sld [smem:$0x3FAB]  }
0x29: {  	s4 =	sld [smem:$0x3FAD]  }
0x2a: {  	p0 =	seq.s32 s5, $0x0;
	s5 =	sld [smem:$0x3FAE]  }
0x2b: {  	s6 =	sld [smem:$0x3FAF]  }
0x2c: {  	s7 =	sld [smem:$0x3FB0]  }
0x2d: {  	s3 =	simm.s32 $0x108;
	s8 =	sld [smem:$0x3FB1]  }
0x2e: {  	s3 =	simm.s32 @!p0 $0x1082;
	s9 =	sld [smem:$0x3FB2]  }
0x2f: {  	lr =	sadd.s32 s0, s3;
	s0 =	sld [smem:$0x3FA9]  }
0x30: {  	s3 =	sld [smem:$0x3FAC]  }
0x31: {  	[smem:$0x3FB5] =	sst s10  }
0x32: {  	s10 =	sld [smem:$0x3FB3];
	_ =	sdelay $0x3  }
0x33: {  	p0 =	seq.s32 s10, $0x1;
	s10 =	sld [smem:$0x3FB5];
	_ =	sdelay $0x3  }
0x34: {  	[smem:$0x3FB5] =	sst s10  }
0x35: {  	s10 =	sld [smem:$0x3FB4];
	_ =	sdelay $0x3  }
0x36: {  	p1 =	seq.s32 s10, $0x1;
	s10 =	sld [smem:$0x3FB5];
	_ =	sdelay $0x3  }
0x37: {  	[smem:$0x3FB5] =	sst s10  }
0x38: {  	s10 =	sld [smem:$0x3FB6]  }
0x39: {  	_ = 	snop;
	(pc) =	sbr.ind lr, $3  }
0x3a: {  	_ = 	snop  }
0x3b: {  	_ = 	snop  }
0x3c: {  	p2 =	seq.s32 s10, $0x1;
	s10 =	sld [smem:$0x3FB5]  }
0x3d: {  	_ =	shalt  }
0x3e: {  	_ =	shalt  }
0x3f: {  	_ =	shalt  }
0x40: {  	_ =	shalt  }
0x41: {  	_ =	shalt  }
0x42: {  	_ =	shalt  }
0x43: {  	_ =	shalt  }
0x44: {  	_ =	shalt  }
0x45: {  	_ =	shalt  }
0x46: {  	_ =	shalt  }
0x47: {  	_ =	shalt  }
0x48: {  	_ =	shalt  }
0x49: {  	_ =	shalt  }
0x4a: {  	_ =	shalt  }
0x4b: {  	_ =	shalt  }
0x4c: {  	_ =	shalt  }
0x4d: {  	_ =	shalt  }
0x4e: {  	_ =	shalt  }
0x4f: {  	_ =	shalt  }
0x50: {  	_ =	shalt  }
0x51: {  	_ =	shalt  }
0x52: {  	_ =	shalt  }
0x53: {  	_ =	shalt  }
0x54: {  	_ =	shalt  }
0x55: {  	_ =	shalt  }
0x56: {  	_ =	shalt  }
0x57: {  	_ =	shalt  }
0x58: {  	_ =	shalt  }
0x59: {  	_ =	shalt  }
0x5a: {  	_ =	shalt  }
0x5b: {  	_ =	shalt  }
0x5c: {  	_ =	shalt  }
0x5d: {  	_ =	shalt  }
0x5e: {  	_ =	shalt  }
0x5f: {  	_ =	shalt  }
0x60: {  	_ =	shalt  }
0x61: {  	_ =	shalt  }
0x62: {  	_ =	shalt  }
0x63: {  	_ =	shalt  }
0x64: {  	_ =	shalt  }
0x65: {  	_ =	shalt  }
0x66: {  	_ =	shalt  }
0x67: {  	_ =	shalt  }
0x68: {  	_ =	shalt  }
0x69: {  	_ =	shalt  }
0x6a: {  	_ =	shalt  }
0x6b: {  	_ =	shalt  }
0x6c: {  	_ =	shalt  }
0x6d: {  	_ =	shalt  }
0x6e: {  	_ =	shalt  }
0x6f: {  	_ =	shalt  }
0x70: {  	_ =	shalt  }
0x71: {  	_ =	shalt  }
0x72: {  	_ =	shalt  }
0x73: {  	_ =	shalt  }
0x74: {  	_ =	shalt  }
0x75: {  	_ =	shalt  }
0x76: {  	_ =	shalt  }
0x77: {  	_ =	shalt  }
0x78: {  	_ =	shalt  }
0x79: {  	_ =	shalt  }
0x7a: {  	_ =	shalt  }
0x7b: {  	_ =	shalt  }
0x7c: {  	_ =	shalt  }
0x7d: {  	_ =	shalt  }
0x7e: {  	_ =	shalt  }
0x7f: {  	_ =	shalt  }
0x80: {  	_ =	shalt  }
0x81: {  	_ =	shalt  }
0x82: {  	_ =	shalt  }
0x83: {  	_ =	shalt  }
0x84: {  	_ =	shalt  }
0x85: {  	_ =	shalt  }
0x86: {  	_ =	shalt  }
0x87: {  	_ =	shalt  }
.Lfunc_end0:
.L_simem_size_0:
called_computation_lowered:
.L_overlay_start_0:
0x88: {  	s2 =	sld [smem:$0x3FD9]  }
0x89: {  	s3 =	sld [smem:$0x3FFE];
	_ =	sdelay $0x1  }
0x8a: {  	s1 =	srdreg.scid  }
0x8b: {  	s0 =	sand.u32 $0x1, s1  }
0x8c: {  	s17 =	sshll.u32 s0, $0xA;
	s2 =	sadd.s32 s3, s2  }
0x8d: {  	s2 =	sadd.s32 s2, s17  }
0x8e: {  	[smem:$0x3FC1] =	sst s2  }
0x8f: {  	_ = 	snop  }
0x90: {  	s2 =	sld [smem:$0x3FD0];
	(tm) =	ssettm $0x1  }
0x91: {  	s18 =	sld [smem:$0x3FFB];
	_ =	sdelay $0x3  }
0x92: {  	_ =	strace s18  }
0x93: {  	s3 =	sld [smem:$0x3FFC];
	_ =	sdelay $0x3  }
0x94: {  	_ =	strace s3  }
0x95: {  	s3 =	sld [smem:$0x3FFD];
	_ =	sdelay $0x3  }
0x96: {  	_ =	strace s3  }
0x97: {  	_ =	strace $0x8FFFFFFF  }
0x98: {  	s19 =	sld [smem:$0x3FDB];
	_ =	sdelay $0x1  }
0x99: {  	s4 =	simm.s32 $_scs_section_size  }
0x9a: {  	s5 =	simm.s32 $_size__tile_overlayer_lowered;
	s6 =	simm.s32 $_tile_overlayer_lowered  }
0x9b: {  	s22 =	simm.s32 $0x1BFF;
	s21 =	sshll.u32 s6, $0x1;
	s3 =	sadd.s32 s4, s19  }
0x9c: {  	s7 =	simm.s32 $0x0;
	s20 =	sshll.u32 s5, $0x1;
	s5 =	sadd.s32 s21, s3  }
0x9d: {  	[timem:s7], [sflag:s22] =	dma.local [hbm:s5], s20  }
0x9e: {  	_ =	swait.ge [sflag:s22], s20  }
0x9f: {  	s4 =	ssub.s32 $0x0, s20;
	[sflag:s22] =	ssyncset.done $0x0  }
0xa0: {  	[sflag:s22] =	ssyncadd.s32 s4;
	_ =	sdelay $0x1  }
0xa1: {  	s23 =	simm.s32 $0x1B8B  }
0xa2: {  	_ =	swait.ge [sflag:s23], $0x1  }
0xa3: {  	[sflag:s23] =	ssyncset.done $0x0  }
0xa4: {  	s25 =	simm.s32 $0x1B8E;
	s24 =	sld [smem:$0x3FFE];
	[sflag:s23] =	ssyncadd.s32 $0xFFFFFFFF  }
0xa5: {  	s26 =	simm.s32 $execute0_lowered;
	[smem:$0x3FD2] =	sst s25  }
0xa6: {  	s5 =	sshll.u32 s26, $0x1;
	_ =	strace $0x80000046;
	[dreg:$0x1] =	wrdreg $0xFFFFFFFF  }
0xa7: {  	s28 =	simm.s32 $_size_execute0_lowered;
	s3 =	sadd.s32 s3, s5;
	[dreg:$0x0] =	wrdreg $0x0  }
0xa8: {  	s5 =	sshll.u32 s28, $0x1;
	[dreg:$0x2] =	wrdreg s3  }
0xa9: {  	[dreg:$0x3] =	wrdreg s5  }
0xaa: {  	[dreg:$0x4] =	wrdreg $0xC0  }
0xab: {  	_ =	task [dreg:s7], $0x5FFFF  }
0xac: {  	[dreg:$0x1] =	wrdreg $0xFFFFFFFF  }
0xad: {  	[dreg:$0x0] =	wrdreg $0x60  }
0xae: {  	[dreg:$0x2] =	wrdreg s24  }
0xaf: {  	[dreg:$0x3] =	wrdreg s2  }
0xb0: {  	[dreg:$0x4] =	wrdreg $0x94000  }
0xb1: {  	[dreg:$0x5] =	wrdreg $0x9  }
0xb2: {  	_ =	task.clear_ibuf [dreg:s7], $0x6FFFF;
	_ =	strace $0x90000046  }
0xb3: {  	s29 =	simm.s32 $0x9;
	_ =	strace $0x80000048  }
0xb4: {  	_ =	swait.ge [sflag:s29], $0x1  }
0xb5: {  	[sflag:s29] =	ssyncadd.s32 $0xFFFFFFFF  }
0xb6: {  	_ =	strace $0x90000048  }
0xb7: {  	_ =	sfence  }
0xb8: {  	s30 =	sld [smem:$0x0];
	_ =	sdelay $0x2  }
0xb9: {  	s31 =	sshll.u32 s1, $0xD;
	s1 =	sshrl.u32 s1, $0x2  }
0xba: {  	s3 =	sand.u32 $0x4000, s31;
	s1 =	sadd.s32 s1, s30  }
0xbb: {  	s0 =	sor.u32 s3, s0;
	s1 =	sshll.u32 s1, $0x11  }
0xbc: {  	s0 =	sor.u32 s1, s0  }
0xbd: {  	s0 =	sadd.s32 $0x8F2B, s0  }
0xbe: {  	[sflag:s0] =	ssyncadd.remote.s32 $0x1  }
0xbf: {  	_ =	sfence.sel $0xFFFF  }
0xc0: {  	[dreg:$0x0] =	wrdreg $0xFFFFFFFF;
	(pc) =	sbr.abs _section_cstart, $3  }
0xc1: {  	[dreg:$0x1] =	wrdreg $0xFFFFFFFF  }
0xc2: {  	_ =	task.clear_ibuf [dreg:s7], $0x2FFFF;
	_ =	strace $0x9FFFFFFF  }
0xc3: {  	(tm) =	ssettm $0x7FFFFFFF  }
tec
execute0_lowered:
.L_overlay_start_1:
0x0: {  	(tag) =	ssettag $0x1  }
0x1: {  	s0 =	rddreg [dreg:$0x0];
	s1 =	srdreg.scid  }
0x2: {  	s11 =	stileid.u32;
	s2 =	rddreg [dreg:$0x1]  }
0x3: {  	s3 =	rddreg [dreg:$0x2];
	s17 =	simm.s32 $0x4;
	s20 =	simm.s32 $0x80  }
0x4: {  	s21 =	simm.s32 $0x4400;
	s22 =	simm.s32 $0x8400;
	s23 =	simm.s32 $0x8C00  }
0x5: {  	s24 =	simm.s32 $0x3C00;
	s28 =	simm.s32 $0x3;
	s29 =	simm.s32 $0x0  }
0x6: {  	s1 =	sand.u32 $0x1, s1;
	s4 =	sshll.u32 s11, $0x1;
	s9 =	smul.u32 $0x2800, s11  }
0x7: {  	s5 =	sadd.s32 $0x5B000, s0;
	s6 =	sadd.s32 $0x1000, s0;
	s7 =	sadd.s32 $0x6000, s0  }
0x8: {  	s25 =	smul.u32 $0x50000, s11;
	s31 =	sshll.u32 s11, $0x6;
	s13 =	sor.u32 s1, s4  }
0x9: {  	s4 =	simm.s32 $0x0;
	s10 =	smul.u32 $0x28000, s1;
	s1 =	ssub.s32 $0x2, s1  }
0xa: {  	s8 =	smul.u32 $0x280, s13;
	[smem:$0x7FF] =	sst s4;
	s26 =	sshrl.u32 s1, $0x1  }
0xb: {  	s30 =	sshrl.u32 s25, $0x2;
	s13 =	smul.u32 $0x14000, s13;
	s25 =	simm.s32 $0x1  }
0xc: {  	_ =	strace $0x80000047;
	s9 =	sadd.s32 s9, s10;
	s1 =	ssub.s32 s1, s26  }
0xd: {  	s16 =	sadd.s32 s30, s3;
	s26 =	simm.s32 $0x2;
	s12 =	sadd.s32 s8, s0  }
0xe: {  	s8 =	sadd.s32 $0x19D800, s0;
	s0 =	sadd.s32 s9, s0;
	s9 =	sor.u32 $0x1C04, s31  }
0xf: {  	s15 =	smax.u32 s1, $0x1;
	s16 =	sshrl.u32 s16, $0x3;
	s10 =	sadd.s32 $0x193800, s12  }
0x10: {  	s11 =	sadd.s32 $0x56000, s12;
	s12 =	sadd.s32 $0x198800, s12;
	s14 =	sadd.s32 $0x1A0000, s0  }
.LBB2_1:
0x11: {  	[spmem:s16], [sflag:s9] =	dma.local [hbm:s8], $0x2800  }
0x12: {  	_ =	swait.ge [sflag:s17], $0x2800  }
0x13: {  	[sflag:s17] =	ssyncset.done $0x0  }
0x14: {  	[sflag:s17] =	ssyncadd.s32 $0xFFFFD800  }
0x15: {  	[tilespmem:s4], [sflag:$0x4] =	stream.linear.gather [hbm4b:s10+s4], $0x1400, $0x38;
	[tilespmem:$0x1D400] =	vst v63  }
0x16: {  	_ =	swait.ge [sflag:s17], $0x1400  }
0x17: {  	[sflag:s17] =	ssyncset.done $0x0  }
0x18: {  	s0 =	simm.s32 $0x1400;
	[sflag:s17] =	ssyncadd.s32 $0xFFFFEC00  }
0x19: {  	[tilespmem:s0], [sflag:$0x4] =	stream.linear.gather [hbm4b:s11+s4], $0x1400, $0x38;
	[tilespmem:$0x1D400] =	vst v63  }
0x1a: {  	_ =	swait.ge [sflag:s17], $0x1400  }
0x1b: {  	[sflag:s17] =	ssyncset.done $0x0  }
0x1c: {  	s31 =	simm.s32 $0x2800;
	[sflag:s17] =	ssyncadd.s32 $0xFFFFEC00  }
0x1d: {  	[tilespmem:s31], [sflag:$0x4] =	stream.linear.gather [hbm4b:s12+s4], $0x1400, $0x38;
	[tilespmem:$0x1D400] =	vst v63  }
0x1e: {  	_ =	swait.ge [sflag:s17], $0x1400  }
0x1f: {  	[sflag:s17] =	ssyncset.done $0x0  }
0x20: {  	[sflag:s17] =	ssyncadd.s32 $0xFFFFEC00  }
0x21: {  	s30 =	simm.s32 $0x0;
	[bflag:$0x0] =	sbarrier.arrive $0xFFFF  }
.LBB2_2:
0x22: {  	s0 =	sshll.u32 s30, $0x7;
	s18 =	sshll.u32 s30, $0xB  }
0x23: {  	[tilespmem:s21], [sflag:$0x1] =	stream.indirect.gather [hbm4b:s5+s20], $0x80, s0, s20, $0xb8;
	[tilespmem:$0x1D400] =	vst v63  }
0x24: {  	s1 =	sadd.s32 $0x1400, s0;
	s31 =	sadd.s32 $0x2800, s0;
	s0 =	sadd.s32 s13, s18  }
0x25: {  	[tilespmem:s22], [sflag:$0x2] =	stream.indirect.gather [hbm4b:s2+s20], $0x10, s1, s20, $0xb8;
	[tilespmem:$0x1D400] =	vst v63  }
0x26: {  	s0 =	sshrl.u32 s0, $0x3  }
0x27: {  	[tilespmem:s23], [sflag:$0x3] =	stream.indirect.gather [hbm4b:s6+s20], $0x10, s31, s20, $0xb8;
	[tilespmem:$0x1D400] =	vst v63  }
0x28: {  	s19 =	simm.s32 $0x0;
	s0 =	sadd.s32 s7, s0  }
0x29: {  	[tilespmem:s24], [sflag:$0x4] =	stream.linear.gather [hbm4b:s0+s19], $0x800, $0x38;
	[tilespmem:$0x1D400] =	vst v63  }
0x2a: {  	_ =	swait.ge [sflag:s17], $0x800  }
0x2b: {  	[sflag:s17] =	ssyncset.done $0x0  }
0x2c: {  	[sflag:s17] =	ssyncadd.s32 $0xFFFFF800  }
0x2d: {  	_ =	swait.ge [sflag:s25], $0x4000  }
0x2e: {  	[sflag:s25] =	ssyncset.done $0x0  }
0x2f: {  	[sflag:s25] =	ssyncadd.s32 $0xFFFFC000  }
0x30: {  	_ =	swait.ge [sflag:s26], $0x800  }
0x31: {  	[sflag:s26] =	ssyncset.done $0x0  }
0x32: {  	[sflag:s26] =	ssyncadd.s32 $0xFFFFF800  }
0x33: {  	_ =	swait.ge [sflag:s28], $0x800  }
0x34: {  	[sflag:s28] =	ssyncset.done $0x0  }
0x35: {  	s1 =	simm.s32 $0x4440;
	[sflag:s28] =	ssyncadd.s32 $0xFFFFF800  }
0x36: {  	v0 =	vld [tilespmem:s1+$0xFFFFFFF0]  }
0x37: {  	s19 =	simm.s32 $0x0;
	v1 =	vld [tilespmem:s1+$0x30]  }
0x38: {  	s18 =	simm.s32 $0x40;
	s0 =	simm.s32 $0x4440;
	v2 =	vld [tilespmem:s19+$0x8C00]  }
.LBB2_3:
0x39: {  	p0 =	sne.s32 s18, $0x1FC0;
	v3 =	vld [tilespmem:s19+$0x8400]  }
0x3a: {  	v4 =	vld [tilespmem:s19+$0x3C00]  }
0x3b: {  	v5 =	vld [tilespmem:s1+$0x20]  }
0x3c: {  	v6 =	vld [tilespmem:s1+$0x10]  }
0x3d: {  	v7 =	vld [tilespmem:s1+$0x0]  }
0x3e: {  	v2 =	vadd.f32 v2, v3;
	v3 =	vld [tilespmem:s1+$0xFFFFFFE0]  }
0x3f: {  	v8 =	vld [tilespmem:s1+$0xFFFFFFD0]  }
0x40: {  	v2 =	vadd.f32 v4, v2;
	v4 =	vld [tilespmem:s1+$0xFFFFFFC0];
	_ =	sdelay $0x1  }
0x41: {  	v5 =	vmul.f32 v5, v2;
	v1 =	vmul.f32 v1, v2  }
0x42: {  	v7 =	vmul.f32 v7, v2;
	v6 =	vmul.f32 v6, v2  }
0x43: {  	v0 =	vmul.f32 v0, v2;
	v3 =	vmul.f32 v3, v2;
	[tilespmem:s1+$0x30] =	vst v1  }
0x44: {  	v1 =	vmul.f32 v8, v2;
	v4 =	vmul.f32 v2, v4;
	[tilespmem:s1+$0x20] =	vst v5  }
0x45: {  	[tilespmem:s1+$0x10] =	vst v6  }
0x46: {  	[tilespmem:s1+$0x0] =	vst v7  }
.Ltmp0:
0x47: {  	[tilespmem:s1+$0xFFFFFFF0] =	vst v0;
	(pc) =	sbr.rel @p0 .LBB2_3-.Ltmp0, $4  }
0x48: {  	s1 =	sadd.s32 $0x80, s1;
	[tilespmem:s0+$0xFFFFFFE0] =	vst v3  }
0x49: {  	v0 =	vld [tilespmem:s1+$0xFFFFFFF0];
	[tilespmem:s0+$0xFFFFFFD0] =	vst v1  }
0x4a: {  	s19 =	sshra.s32 s18, $0x2;
	v1 =	vld [tilespmem:s1+$0x30];
	[tilespmem:s0+$0xFFFFFFC0] =	vst v4;
	s0 =	smov.u32 s1  }
0x4b: {  	s18 =	sadd.s32 $0x40, s18;
	v2 =	vld [tilespmem:s19+$0x8C00]  }
0x4c: {  	v3 =	vld [tilespmem:s19+$0x8400];
	_ =	sdelay $0x1  }
0x4d: {  	v4 =	vld [tilespmem:s19+$0x3C00];
	_ =	sdelay $0x2  }
0x4e: {  	v5 =	vld [tilespmem:s1+$0x20];
	v2 =	vadd.f32 v2, v3  }
0x4f: {  	v58 =	vld [tilespmem:s1+$0x10]  }
0x50: {  	v6 =	vld [tilespmem:s1+$0x0];
	v2 =	vadd.f32 v4, v2;
	_ =	sdelay $0x1  }
0x51: {  	v59 =	vld [tilespmem:s1+$0xFFFFFFE0];
	v1 =	vmul.f32 v1, v2  }
0x52: {  	v7 =	vld [tilespmem:s1+$0xFFFFFFD0];
	v5 =	vmul.f32 v5, v2  }
0x53: {  	v8 =	vld [tilespmem:s1+$0xFFFFFFC0];
	v3 =	vmul.f32 v58, v2;
	[tilespmem:s1+$0x30] =	vst v1  }
0x54: {  	v60 =	vmul.f32 v6, v2;
	[tilespmem:s1+$0x20] =	vst v5  }
0x55: {  	v0 =	vmul.f32 v0, v2;
	[tilespmem:s1+$0x10] =	vst v3  }
0x56: {  	v61 =	vmul.f32 v59, v2;
	[tilespmem:s1+$0x0] =	vst v60  }
0x57: {  	v62 =	vmul.f32 v7, v2;
	[tilespmem:s1+$0xFFFFFFF0] =	vst v0  }
0x58: {  	s30 =	sadd.s32 $0x1, s30;
	v63 =	vmul.f32 v2, v8;
	[tilespmem:s0+$0xFFFFFFE0] =	vst v61  }
0x59: {  	p0 =	sne.s32 s30, $0x28;
	[tilespmem:s0+$0xFFFFFFD0] =	vst v62  }
.Ltmp1:
0x5a: {  	[tilespmem:s0+$0xFFFFFFC0] =	vst v63;
	(pc) =	sbr.rel @p0 .LBB2_2-.Ltmp1, $4  }
0x5b: {  	[spmem:s3] =	stream.indirect.scatter.add.f32 [tilespmem:s21], [sflag:$0x4], $0x80, s31, s20, $0xb8;
	[tilespmem:$0x1D400] =	vst v63  }
0x5c: {  	_ =	swait.ge [sflag:s17], $0x4000  }
0x5d: {  	[sflag:s17] =	ssyncset.done $0x0  }
0x5e: {  	[sflag:s17] =	ssyncadd.s32 $0xFFFFC000  }
0x5f: {  	s29 =	sadd.s32 $0x1, s29  }
0x60: {  	p0 =	sne.s32 s29, s15  }
.Ltmp2:
0x61: {  	[bflag:$0x0] =	sbarrier.arrive $0xFFFF;
	(pc) =	sbr.rel @p0 .LBB2_1-.Ltmp2, $4  }
0x62: {  	[hbm:s14], [sflag:s9] =	dma.local [spmem:s16], $0x2800  }
0x63: {  	_ =	swait.ge [sflag:s17], $0x2800  }
0x64: {  	[sflag:s17] =	ssyncset.done $0x0  }
0x65: {  	[sflag:s17] =	ssyncadd.s32 $0xFFFFD800  }
0x66: {  	_ =	sfence.sel $0x180000  }
0x67: {  	[bflag:$0x0] =	sbarrier.arrive $0xFFFF  }
0x68: {  	_ =	strace $0x90000047  }
0x69: {  	s0 =	stileid.u32;
	[bflag:$0x2] =	sbarrier.arrive $0xFFFF  }
0x6a: {  	p0 =	sne.s32 s0, $0x0;
	s0 =	rddreg [dreg:$0x3]  }
0x6b: {  	s0 =	sadd.s32 @!p0 $0x100000, s0  }
0x6c: {  	[sflag:s0] =	ssyncadd.tile.s32 @!p0 $0x1;
	_ =	shalt  }
.Lfunc_end2:
_tile_overlayer_lowered:
.L_overlay_start_2:
0x6d: {  	(tag) =	ssettag $0x2  }
0x6e: {  	s0 =	rddreg [dreg:$0x0];
	s2 =	stileid.u32  }
0x6f: {  	s1 =	rddreg [dreg:$0x1];
	p0 =	sne.s32 s2, $0x0  }
0x70: {  	s3 =	rddreg [dreg:$0x2];
	[bflag:$0x3] =	sbarrier.arrive $0xFFFF;
	s2 =	simm.s32 @!p0 $0x1C04  }
0x71: {  	[timem:s3], [sflag:s2] =	dma.local @!p0 [hbm:s0], s1  }
0x72: {  	s0 =	simm.s32 @!p0 $0x4  }
0x73: {  	_ =	swait.ge @!p0 [sflag:s0], s1  }
0x74: {  	s1 =	ssub.s32 @!p0 $0x0, s1;
	[sflag:s0] =	ssyncset.done @!p0 $0x0  }
0x75: {  	[sflag:s0] =	ssyncadd.s32 @!p0 s1  }
0x76: {  	[bflag:$0x3] =	sbarrier.arrive $0xFFFF  }
0x77: {  	_ =	shalt  }

</sc_bundles>
